<compile_context>
chip_gen: v7x
topology: tpu7x:2x2x1
jax: 0.10.2.dev20260603
libtpu: 0.0.44.dev20260713+nightly
codegen_flags: <defaults>
</compile_context>

<pallas_src>
import functools
import jax
import jax.numpy as jnp
from jax import lax
from jax.experimental import pallas as pl
from jax.experimental.pallas import tpu as pltpu
from jax.experimental.pallas import tpu_sc as plsc

_N = 16384
_C = 1000
_CP = 1024
_BM = 2048
_GRID = _N // _BM
_EPS = 1e-08
_T_ZERO = -88.0
_T_ONE = 17.33

_NC = 2
_NS = 16
_NW = _NC * _NS
_RPW = _N // _NW // 128


def _sc_cnt_body(tgt2, cnt_out, tgt_v, ones_v, zeros_v, sh_cnt):
    cid = lax.axis_index("c")
    sid = lax.axis_index("s")
    wid = sid * _NC + cid
    base_r = wid * _RPW

    for k in range(_CP // 16):
        zeros_v[pl.ds(k * 16, 16)] = jnp.zeros((16,), jnp.float32)
    for k in range(128 // 16):
        ones_v[pl.ds(k * 16, 16)] = jnp.ones((16,), jnp.float32)

    @pl.when(sid == 0)
    def _init():
        pltpu.sync_copy(zeros_v, sh_cnt)

    pltpu.sync_copy(tgt2.at[pl.ds(base_r, _RPW)], tgt_v)

    plsc.subcore_barrier()
    for j in range(_RPW):
        pltpu.sync_copy(ones_v, sh_cnt.at[tgt_v.at[j]], add=True)

    plsc.subcore_barrier()

    @pl.when(sid == 0)
    def _publish():
        pltpu.sync_copy(sh_cnt, cnt_out.at[cid])


_sc_cnt = functools.partial(
    pl.kernel,
    mesh=plsc.VectorSubcoreMesh(core_axis_name="c", subcore_axis_name="s"),
    out_type=[
        jax.ShapeDtypeStruct((_NC, _CP), jnp.float32),
    ],
    scratch_types=[
        pltpu.VMEM((_RPW, 128), jnp.int32),
        pltpu.VMEM((128,), jnp.float32),
        pltpu.VMEM((_CP,), jnp.float32),
        pltpu.VMEM_SHARED((_CP,), jnp.float32),
    ],
)(_sc_cnt_body)


_NCHUNK = _N // _BM


_NSPLIT = 4
_BSUB = _BM // _NSPLIT


class _ChunkCopy:

    def __init__(self, x_hbm, buf, sem, k):
        self._copies = [
            pltpu.make_async_copy(
                x_hbm.at[pl.ds(k * _BM + s * _BSUB, _BSUB), :],
                buf.at[pl.ds(s * _BSUB, _BSUB), :],
                sem)
            for s in range(_NSPLIT)
        ]

    def start(self):
        for c in self._copies:
            c.start()

    def wait(self):
        for c in self._copies:
            c.wait()


def _chunk_copy(x_hbm, buf, sem, k):
    return _ChunkCopy(x_hbm, buf, sem, k)


def _dense_body(tgt_ref, x_hbm, p_out, tp_out, mc_out,
                buf0, buf1, p_acc, tp_acc, m_acc, sem0, sem1):
    p_acc[...] = jnp.zeros_like(p_acc)
    tp_acc[...] = jnp.zeros_like(tp_acc)
    m_acc[0] = 0.0

    bf16 = jnp.bfloat16
    f32 = jnp.float32
    ones_r = jnp.ones((1, _BM), bf16)
    ones_c = jnp.ones((_C, 1), bf16)
    ones_cf = jnp.ones((_C, 1), f32)
    col = jax.lax.broadcasted_iota(jnp.int32, (_BM, _C), 1)

    def compute(buf, k):
        x = buf[...]
        tgt = tgt_ref[k, 0, :]
        m_oh = col == tgt[:, None]
        pm = x >= 0.0
        pred_bf = jnp.where(pm, 1.0, 0.0).astype(bf16)
        nz_bf = jnp.where(x > _T_ZERO, 1.0, 0.0).astype(bf16)
        tpoh_bf = jnp.where(m_oh & pm, 1.0, 0.0).astype(bf16)
        xv = jnp.where(m_oh, x, 0.0)
        p_acc[...] += jax.lax.dot(ones_r, pred_bf, preferred_element_type=f32)
        tp_acc[...] += jax.lax.dot(ones_r, tpoh_bf, preferred_element_type=f32)
        a = jax.lax.dot(nz_bf, ones_c, preferred_element_type=f32)
        tv = jax.lax.dot(xv, ones_cf, preferred_element_type=f32)
        match = jnp.where((a == 1.0) & (tv >= _T_ONE), 1.0, 0.0)
        m_acc[0] += jnp.sum(match)

    _chunk_copy(x_hbm, buf0, sem0, 0).start()

    def outer(i, carry):
        k0 = 2 * i

        @pl.when(k0 + 1 < _NCHUNK)
        def _p1():
            _chunk_copy(x_hbm, buf1, sem1, k0 + 1).start()

        _chunk_copy(x_hbm, buf0, sem0, k0).wait()
        compute(buf0, k0)

        @pl.when(k0 + 2 < _NCHUNK)
        def _p2():
            _chunk_copy(x_hbm, buf0, sem0, k0 + 2).start()

        @pl.when(k0 + 1 < _NCHUNK)
        def _c1():
            _chunk_copy(x_hbm, buf1, sem1, k0 + 1).wait()
            compute(buf1, k0 + 1)

        return carry

    jax.lax.fori_loop(0, (_NCHUNK + 1) // 2, outer, 0)

    p_out[...] = p_acc[0, :]
    tp_out[...] = tp_acc[0, :]
    mc_out[...] = jnp.full((1, 128), m_acc[0], jnp.float32)


def _dense_call(x, tgt3):
    return pl.pallas_call(
        _dense_body,
        in_specs=[
            pl.BlockSpec(memory_space=pltpu.MemorySpace.VMEM),
            pl.BlockSpec(memory_space=pltpu.MemorySpace.HBM),
        ],
        out_specs=[
            pl.BlockSpec(memory_space=pltpu.MemorySpace.VMEM),
            pl.BlockSpec(memory_space=pltpu.MemorySpace.VMEM),
            pl.BlockSpec(memory_space=pltpu.MemorySpace.VMEM),
        ],
        out_shape=[
            jax.ShapeDtypeStruct((_C,), jnp.float32),
            jax.ShapeDtypeStruct((_C,), jnp.float32),
            jax.ShapeDtypeStruct((1, 128), jnp.float32),
        ],
        scratch_shapes=[
            pltpu.VMEM((_BM, _C), jnp.float32),
            pltpu.VMEM((_BM, _C), jnp.float32),
            pltpu.VMEM((1, _C), jnp.float32),
            pltpu.VMEM((1, _C), jnp.float32),
            pltpu.SMEM((1,), jnp.float32),
            pltpu.SemaphoreType.DMA,
            pltpu.SemaphoreType.DMA,
        ],
    )(tgt3, x)


def _comb_body(p_ref, tp_ref, cnt_ref, mc_ref, out_ref):
    p = p_ref[...]
    tp_raw = tp_ref[...]
    cnt2 = cnt_ref[...]
    cnt = (cnt2[0] + cnt2[1])[:_C]

    tp = tp_raw + _EPS
    fp = (p - tp_raw) + _EPS
    fn = (cnt - tp_raw) + _EPS
    tn = (_N - p - cnt + tp_raw) + _EPS
    precision = tp / (tp + fp + _EPS)
    recall = tp / (tp + fn + _EPS)
    f1 = 2.0 * precision * recall / (precision + recall + _EPS)

    zero_one = mc_ref[0, 0] / _N
    tp_s = jnp.sum(tp)
    tn_s = jnp.sum(tn)
    fp_s = jnp.sum(fp)
    fn_s = jnp.sum(fn)
    accuracy = (tp_s + tn_s) / (tp_s + tn_s + fp_s + fn_s)
    precision_g = tp_s / (tp_s + fp_s + _EPS)
    recall_g = tp_s / (tp_s + fn_s + _EPS)
    f1_g = 2.0 * precision_g * recall_g / (precision_g + recall_g + _EPS)
    precision_pc = jnp.sum(precision) / _C
    recall_pc = jnp.sum(recall) / _C
    f1_pc = jnp.sum(f1) / _C

    ones = jnp.ones((1, 128), jnp.float32)
    out_ref[0:1, :] = ones * zero_one
    out_ref[1:2, :] = ones * accuracy
    out_ref[2:3, :] = ones * precision_g
    out_ref[3:4, :] = ones * recall_g
    out_ref[4:5, :] = ones * f1_g
    out_ref[5:6, :] = ones * precision_pc
    out_ref[6:7, :] = ones * recall_pc
    out_ref[7:8, :] = ones * f1_pc


def _comb_call(p, tp, cnt2, mc):
    return pl.pallas_call(
        _comb_body,
        out_shape=jax.ShapeDtypeStruct((8, 128), jnp.float32),
    )(p, tp, cnt2, mc)


def kernel(output, target):
    tgt3 = target.reshape(_GRID, 1, _BM)
    tgt2 = target.reshape(128, 128)
    (cnt2,) = _sc_cnt(tgt2)
    p, tp, mc = _dense_call(output, tgt3)
    out = _comb_call(p, tp, cnt2, mc)
    return tuple(out[i, 0] for i in range(8))

# --- scband reference (transcript-rebuilt; emitter-appended) ---
"""Pipeline reference for scband-multi-label-86990267613595 (READ-ONLY COPY).

The authoritative reference and input builder live on the scoring server;
editing this copy changes nothing except your own understanding.
"""

import jax, jax.numpy as jnp
import numpy as np

THRESHOLD = 0.5
EPS = 1e-08


def setup_inputs(seed: int = 0) -> dict:
    key = jax.random.key(seed)
    k1, k2 = jax.random.split(key)
    output = jax.random.normal(k1, (16384, 1000), dtype=jnp.float32)
    target = jax.random.randint(k2, (16384,), 0, 1000, dtype=jnp.int32)
    return {"output": output, "target": target}


def reference(output, target):
    # activation
    out = jax.nn.sigmoid(output)
    nbatch, nclasses = out.shape
    # int target -> one-hot via scatter-overwrite
    target_onehot = jnp.zeros_like(out).at[jnp.arange(nbatch), target].set(1.0)
    tgt = target_onehot
    # zero-one exact match rate
    zero_one = jnp.all(out == tgt, axis=1).sum() / nbatch
    # confusion matrix, per-class (dim=0), activation=None inside
    prediction = (out >= THRESHOLD).astype(tgt.dtype)
    trues = (tgt == 1).astype(jnp.float32)
    falses = 1.0 - trues
    tp = (prediction * trues).sum(axis=0) + EPS
    fp = (prediction * falses).sum(axis=0) + EPS
    tn = ((1.0 - prediction) * falses).sum(axis=0) + EPS
    fn = ((1.0 - prediction) * trues).sum(axis=0) + EPS
    precision = tp / (tp + fp + EPS)
    recall = tp / (tp + fn + EPS)
    f1score = 2.0 * precision * recall / (precision + recall + EPS)
    precision_per_class = precision.mean()
    recall_per_class = recall.mean()
    f1score_per_class = f1score.mean()
    tp_s, tn_s, fp_s, fn_s = tp.sum(), tn.sum(), fp.sum(), fn.sum()
    accuracy = (tp_s + tn_s) / (tp_s + tn_s + fp_s + fn_s)
    precision_g = tp_s / (tp_s + fp_s + EPS)
    recall_g = tp_s / (tp_s + fn_s + EPS)
    f1score_g = 2.0 * precision_g * recall_g / (precision_g + recall_g + EPS)
    # order: zero-one, accuracy, precision, recall, f1score,
    #        precision_per_class, recall_per_class, f1score_per_class
    return (zero_one, accuracy, precision_g, recall_g, f1score_g,
            precision_per_class, recall_per_class, f1score_per_class)

if __name__ == "__main__":
    import jax
    _d = setup_inputs()
    print(jax.jit(kernel)(*tuple(_d.values())))

</pallas_src>

<mosaic_0001>
#map = affine_map<(d0, d1) -> (0, 0)>
module attributes {stable_mosaic.version = 14 : i64} {
  func.func @_sc_cnt_body(%arg0: i32, %arg1: i32, %arg2: memref<128x128xi32, #tpu.memory_space<hbm>>, %arg3: memref<2x1024xf32, #tpu.memory_space<hbm>>, %arg4: memref<4x128xi32, #tpu.memory_space<vmem>>, %arg5: memref<128xf32, #tpu.memory_space<vmem>>, %arg6: memref<1024xf32, #tpu.memory_space<vmem>>, %arg7: memref<1024xf32, #tpu.memory_space<vmem_shared>>) attributes {dimension_semantics = [#tpu.dimension_semantics<core_parallel>, #tpu.dimension_semantics<subcore_parallel>], iteration_bounds = array<i64: 2, 16>, scalar_prefetch = 0 : i64, scratch_operands = 4 : i64, tpu.core_type = #tpu.core_type<sc_vector_subcore>, window_params = [{transform_indices = #map}, {transform_indices = #map}]} {
    %mul3A = arith.constant 2 : i32
    %mul3A_0 = arith.muli %arg1, %mul3A : i32
    %add3A = arith.addi %mul3A_0, %arg0 : i32
    %mul3A_1 = arith.constant 4 : i32
    %mul3A_2 = arith.muli %add3A, %mul3A_1 : i32
    %broadcast_in_dim3A = arith.constant 0.000000e+00 : f32
    %broadcast_in_dim3A_3 = vector.broadcast %broadcast_in_dim3A : f32 to vector<16xf32>
    %swap3A = arith.constant 0 : index
    %swap3A_4 = tpu.vector_load %arg6[%swap3A] {strides = array<i32>} : memref<1024xf32, #tpu.memory_space<vmem>>, vector<16xf32>,
    %swap3A_5 = vector.shape_cast %swap3A_4 : vector<16xf32> to vector<16xf32>
    %swap3A_6 = vector.shape_cast %broadcast_in_dim3A_3 : vector<16xf32> to vector<16xf32>
    tpu.vector_store %arg6[%swap3A], %swap3A_6 {strides = array<i32>} : memref<1024xf32, #tpu.memory_space<vmem>>, vector<16xf32>,
    %broadcast_in_dim3A_7 = arith.constant 0.000000e+00 : f32
    %broadcast_in_dim3A_8 = vector.broadcast %broadcast_in_dim3A_7 : f32 to vector<16xf32>
    %swap3A_9 = arith.constant 16 : index
    %swap3A_10 = tpu.vector_load %arg6[%swap3A_9] {strides = array<i32>} : memref<1024xf32, #tpu.memory_space<vmem>>, vector<16xf32>,
    %swap3A_11 = vector.shape_cast %swap3A_10 : vector<16xf32> to vector<16xf32>
    %swap3A_12 = vector.shape_cast %broadcast_in_dim3A_8 : vector<16xf32> to vector<16xf32>
    tpu.vector_store %arg6[%swap3A_9], %swap3A_12 {strides = array<i32>} : memref<1024xf32, #tpu.memory_space<vmem>>, vector<16xf32>,
    %broadcast_in_dim3A_13 = arith.constant 0.000000e+00 : f32
    %broadcast_in_dim3A_14 = vector.broadcast %broadcast_in_dim3A_13 : f32 to vector<16xf32>
    %swap3A_15 = arith.constant 32 : index
    %swap3A_16 = tpu.vector_load %arg6[%swap3A_15] {strides = array<i32>} : memref<1024xf32, #tpu.memory_space<vmem>>, vector<16xf32>,
    %swap3A_17 = vector.shape_cast %swap3A_16 : vector<16xf32> to vector<16xf32>
    %swap3A_18 = vector.shape_cast %broadcast_in_dim3A_14 : vector<16xf32> to vector<16xf32>
    tpu.vector_store %arg6[%swap3A_15], %swap3A_18 {strides = array<i32>} : memref<1024xf32, #tpu.memory_space<vmem>>, vector<16xf32>,
    %broadcast_in_dim3A_19 = arith.constant 0.000000e+00 : f32
    %broadcast_in_dim3A_20 = vector.broadcast %broadcast_in_dim3A_19 : f32 to vector<16xf32>
    %swap3A_21 = arith.constant 48 : index
    %swap3A_22 = tpu.vector_load %arg6[%swap3A_21] {strides = array<i32>} : memref<1024xf32, #tpu.memory_space<vmem>>, vector<16xf32>,
    %swap3A_23 = vector.shape_cast %swap3A_22 : vector<16xf32> to vector<16xf32>
    %swap3A_24 = vector.shape_cast %broadcast_in_dim3A_20 : vector<16xf32> to vector<16xf32>
    tpu.vector_store %arg6[%swap3A_21], %swap3A_24 {strides = array<i32>} : memref<1024xf32, #tpu.memory_space<vmem>>, vector<16xf32>,
    %broadcast_in_dim3A_25 = arith.constant 0.000000e+00 : f32
    %broadcast_in_dim3A_26 = vector.broadcast %broadcast_in_dim3A_25 : f32 to vector<16xf32>
    %swap3A_27 = arith.constant 64 : index
    %swap3A_28 = tpu.vector_load %arg6[%swap3A_27] {strides = array<i32>} : memref<1024xf32, #tpu.memory_space<vmem>>, vector<16xf32>,
    %swap3A_29 = vector.shape_cast %swap3A_28 : vector<16xf32> to vector<16xf32>
    %swap3A_30 = vector.shape_cast %broadcast_in_dim3A_26 : vector<16xf32> to vector<16xf32>
    tpu.vector_store %arg6[%swap3A_27], %swap3A_30 {strides = array<i32>} : memref<1024xf32, #tpu.memory_space<vmem>>, vector<16xf32>,
    %broadcast_in_dim3A_31 = arith.constant 0.000000e+00 : f32
    %broadcast_in_dim3A_32 = vector.broadcast %broadcast_in_dim3A_31 : f32 to vector<16xf32>
    %swap3A_33 = arith.constant 80 : index
    %swap3A_34 = tpu.vector_load %arg6[%swap3A_33] {strides = array<i32>} : memref<1024xf32, #tpu.memory_space<vmem>>, vector<16xf32>,
    %swap3A_35 = vector.shape_cast %swap3A_34 : vector<16xf32> to vector<16xf32>
    %swap3A_36 = vector.shape_cast %broadcast_in_dim3A_32 : vector<16xf32> to vector<16xf32>
    tpu.vector_store %arg6[%swap3A_33], %swap3A_36 {strides = array<i32>} : memref<1024xf32, #tpu.memory_space<vmem>>, vector<16xf32>,
    %broadcast_in_dim3A_37 = arith.constant 0.000000e+00 : f32
    %broadcast_in_dim3A_38 = vector.broadcast %broadcast_in_dim3A_37 : f32 to vector<16xf32>
    %swap3A_39 = arith.constant 96 : index
    %swap3A_40 = tpu.vector_load %arg6[%swap3A_39] {strides = array<i32>} : memref<1024xf32, #tpu.memory_space<vmem>>, vector<16xf32>,
    %swap3A_41 = vector.shape_cast %swap3A_40 : vector<16xf32> to vector<16xf32>
    %swap3A_42 = vector.shape_cast %broadcast_in_dim3A_38 : vector<16xf32> to vector<16xf32>
    tpu.vector_store %arg6[%swap3A_39], %swap3A_42 {strides = array<i32>} : memref<1024xf32, #tpu.memory_space<vmem>>, vector<16xf32>,
    %broadcast_in_dim3A_43 = arith.constant 0.000000e+00 : f32
    %broadcast_in_dim3A_44 = vector.broadcast %broadcast_in_dim3A_43 : f32 to vector<16xf32>
    %swap3A_45 = arith.constant 112 : index
    %swap3A_46 = tpu.vector_load %arg6[%swap3A_45] {strides = array<i32>} : memref<1024xf32, #tpu.memory_space<vmem>>, vector<16xf32>,
    %swap3A_47 = vector.shape_cast %swap3A_46 : vector<16xf32> to vector<16xf32>
    %swap3A_48 = vector.shape_cast %broadcast_in_dim3A_44 : vector<16xf32> to vector<16xf32>
    tpu.vector_store %arg6[%swap3A_45], %swap3A_48 {strides = array<i32>} : memref<1024xf32, #tpu.memory_space<vmem>>, vector<16xf32>,
    %broadcast_in_dim3A_49 = arith.constant 0.000000e+00 : f32
    %broadcast_in_dim3A_50 = vector.broadcast %broadcast_in_dim3A_49 : f32 to vector<16xf32>
    %swap3A_51 = arith.constant 128 : index
    %swap3A_52 = tpu.vector_load %arg6[%swap3A_51] {strides = array<i32>} : memref<1024xf32, #tpu.memory_space<vmem>>, vector<16xf32>,
    %swap3A_53 = vector.shape_cast %swap3A_52 : vector<16xf32> to vector<16xf32>
    %swap3A_54 = vector.shape_cast %broadcast_in_dim3A_50 : vector<16xf32> to vector<16xf32>
    tpu.vector_store %arg6[%swap3A_51], %swap3A_54 {strides = array<i32>} : memref<1024xf32, #tpu.memory_space<vmem>>, vector<16xf32>,
    %broadcast_in_dim3A_55 = arith.constant 0.000000e+00 : f32
    %broadcast_in_dim3A_56 = vector.broadcast %broadcast_in_dim3A_55 : f32 to vector<16xf32>
    %swap3A_57 = arith.constant 144 : index
    %swap3A_58 = tpu.vector_load %arg6[%swap3A_57] {strides = array<i32>} : memref<1024xf32, #tpu.memory_space<vmem>>, vector<16xf32>,
    %swap3A_59 = vector.shape_cast %swap3A_58 : vector<16xf32> to vector<16xf32>
    %swap3A_60 = vector.shape_cast %broadcast_in_dim3A_56 : vector<16xf32> to vector<16xf32>
    tpu.vector_store %arg6[%swap3A_57], %swap3A_60 {strides = array<i32>} : memref<1024xf32, #tpu.memory_space<vmem>>, vector<16xf32>,
    %broadcast_in_dim3A_61 = arith.constant 0.000000e+00 : f32
    %broadcast_in_dim3A_62 = vector.broadcast %broadcast_in_dim3A_61 : f32 to vector<16xf32>
    %swap3A_63 = arith.constant 160 : index
    %swap3A_64 = tpu.vector_load %arg6[%swap3A_63] {strides = array<i32>} : memref<1024xf32, #tpu.memory_space<vmem>>, vector<16xf32>,
    %swap3A_65 = vector.shape_cast %swap3A_64 : vector<16xf32> to vector<16xf32>
    %swap3A_66 = vector.shape_cast %broadcast_in_dim3A_62 : vector<16xf32> to vector<16xf32>
    tpu.vector_store %arg6[%swap3A_63], %swap3A_66 {strides = array<i32>} : memref<1024xf32, #tpu.memory_space<vmem>>, vector<16xf32>,
    %broadcast_in_dim3A_67 = arith.constant 0.000000e+00 : f32
    %broadcast_in_dim3A_68 = vector.broadcast %broadcast_in_dim3A_67 : f32 to vector<16xf32>
    %swap3A_69 = arith.constant 176 : index
    %swap3A_70 = tpu.vector_load %arg6[%swap3A_69] {strides = array<i32>} : memref<1024xf32, #tpu.memory_space<vmem>>, vector<16xf32>,
    %swap3A_71 = vector.shape_cast %swap3A_70 : vector<16xf32> to vector<16xf32>
    %swap3A_72 = vector.shape_cast %broadcast_in_dim3A_68 : vector<16xf32> to vector<16xf32>
    tpu.vector_store %arg6[%swap3A_69], %swap3A_72 {strides = array<i32>} : memref<1024xf32, #tpu.memory_space<vmem>>, vector<16xf32>,
    %broadcast_in_dim3A_73 = arith.constant 0.000000e+00 : f32
    %broadcast_in_dim3A_74 = vector.broadcast %broadcast_in_dim3A_73 : f32 to vector<16xf32>
    %swap3A_75 = arith.constant 192 : index
    %swap3A_76 = tpu.vector_load %arg6[%swap3A_75] {strides = array<i32>} : memref<1024xf32, #tpu.memory_space<vmem>>, vector<16xf32>,
    %swap3A_77 = vector.shape_cast %swap3A_76 : vector<16xf32> to vector<16xf32>
    %swap3A_78 = vector.shape_cast %broadcast_in_dim3A_74 : vector<16xf32> to vector<16xf32>
    tpu.vector_store %arg6[%swap3A_75], %swap3A_78 {strides = array<i32>} : memref<1024xf32, #tpu.memory_space<vmem>>, vector<16xf32>,
    %broadcast_in_dim3A_79 = arith.constant 0.000000e+00 : f32
    %broadcast_in_dim3A_80 = vector.broadcast %broadcast_in_dim3A_79 : f32 to vector<16xf32>
    %swap3A_81 = arith.constant 208 : index
    %swap3A_82 = tpu.vector_load %arg6[%swap3A_81] {strides = array<i32>} : memref<1024xf32, #tpu.memory_space<vmem>>, vector<16xf32>,
    %swap3A_83 = vector.shape_cast %swap3A_82 : vector<16xf32> to vector<16xf32>
    %swap3A_84 = vector.shape_cast %broadcast_in_dim3A_80 : vector<16xf32> to vector<16xf32>
    tpu.vector_store %arg6[%swap3A_81], %swap3A_84 {strides = array<i32>} : memref<1024xf32, #tpu.memory_space<vmem>>, vector<16xf32>,
    %broadcast_in_dim3A_85 = arith.constant 0.000000e+00 : f32
    %broadcast_in_dim3A_86 = vector.broadcast %broadcast_in_dim3A_85 : f32 to vector<16xf32>
    %swap3A_87 = arith.constant 224 : index
    %swap3A_88 = tpu.vector_load %arg6[%swap3A_87] {strides = array<i32>} : memref<1024xf32, #tpu.memory_space<vmem>>, vector<16xf32>,
    %swap3A_89 = vector.shape_cast %swap3A_88 : vector<16xf32> to vector<16xf32>
    %swap3A_90 = vector.shape_cast %broadcast_in_dim3A_86 : vector<16xf32> to vector<16xf32>
    tpu.vector_store %arg6[%swap3A_87], %swap3A_90 {strides = array<i32>} : memref<1024xf32, #tpu.memory_space<vmem>>, vector<16xf32>,
    %broadcast_in_dim3A_91 = arith.constant 0.000000e+00 : f32
    %broadcast_in_dim3A_92 = vector.broadcast %broadcast_in_dim3A_91 : f32 to vector<16xf32>
    %swap3A_93 = arith.constant 240 : index
    %swap3A_94 = tpu.vector_load %arg6[%swap3A_93] {strides = array<i32>} : memref<1024xf32, #tpu.memory_space<vmem>>, vector<16xf32>,
    %swap3A_95 = vector.shape_cast %swap3A_94 : vector<16xf32> to vector<16xf32>
    %swap3A_96 = vector.shape_cast %broadcast_in_dim3A_92 : vector<16xf32> to vector<16xf32>
    tpu.vector_store %arg6[%swap3A_93], %swap3A_96 {strides = array<i32>} : memref<1024xf32, #tpu.memory_space<vmem>>, vector<16xf32>,
    %broadcast_in_dim3A_97 = arith.constant 0.000000e+00 : f32
    %broadcast_in_dim3A_98 = vector.broadcast %broadcast_in_dim3A_97 : f32 to vector<16xf32>
    %swap3A_99 = arith.constant 256 : index
    %swap3A_100 = tpu.vector_load %arg6[%swap3A_99] {strides = array<i32>} : memref<1024xf32, #tpu.memory_space<vmem>>, vector<16xf32>,
    %swap3A_101 = vector.shape_cast %swap3A_100 : vector<16xf32> to vector<16xf32>
    %swap3A_102 = vector.shape_cast %broadcast_in_dim3A_98 : vector<16xf32> to vector<16xf32>
    tpu.vector_store %arg6[%swap3A_99], %swap3A_102 {strides = array<i32>} : memref<1024xf32, #tpu.memory_space<vmem>>, vector<16xf32>,
    %broadcast_in_dim3A_103 = arith.constant 0.000000e+00 : f32
    %broadcast_in_dim3A_104 = vector.broadcast %broadcast_in_dim3A_103 : f32 to vector<16xf32>
    %swap3A_105 = arith.constant 272 : index
    %swap3A_106 = tpu.vector_load %arg6[%swap3A_105] {strides = array<i32>} : memref<1024xf32, #tpu.memory_space<vmem>>, vector<16xf32>,
    %swap3A_107 = vector.shape_cast %swap3A_106 : vector<16xf32> to vector<16xf32>
    %swap3A_108 = vector.shape_cast %broadcast_in_dim3A_104 : vector<16xf32> to vector<16xf32>
    tpu.vector_store %arg6[%swap3A_105], %swap3A_108 {strides = array<i32>} : memref<1024xf32, #tpu.memory_space<vmem>>, vector<16xf32>,
    %broadcast_in_dim3A_109 = arith.constant 0.000000e+00 : f32
    %broadcast_in_dim3A_110 = vector.broadcast %broadcast_in_dim3A_109 : f32 to vector<16xf32>
    %swap3A_111 = arith.constant 288 : index
    %swap3A_112 = tpu.vector_load %arg6[%swap3A_111] {strides = array<i32>} : memref<1024xf32, #tpu.memory_space<vmem>>, vector<16xf32>,
    %swap3A_113 = vector.shape_cast %swap3A_112 : vector<16xf32> to vector<16xf32>
    %swap3A_114 = vector.shape_cast %broadcast_in_dim3A_110 : vector<16xf32> to vector<16xf32>
    tpu.vector_store %arg6[%swap3A_111], %swap3A_114 {strides = array<i32>} : memref<1024xf32, #tpu.memory_space<vmem>>, vector<16xf32>,
    %broadcast_in_dim3A_115 = arith.constant 0.000000e+00 : f32
    %broadcast_in_dim3A_116 = vector.broadcast %broadcast_in_dim3A_115 : f32 to vector<16xf32>
    %swap3A_117 = arith.constant 304 : index
    %swap3A_118 = tpu.vector_load %arg6[%swap3A_117] {strides = array<i32>} : memref<1024xf32, #tpu.memory_space<vmem>>, vector<16xf32>,
    %swap3A_119 = vector.shape_cast %swap3A_118 : vector<16xf32> to vector<16xf32>
    %swap3A_120 = vector.shape_cast %broadcast_in_dim3A_116 : vector<16xf32> to vector<16xf32>
    tpu.vector_store %arg6[%swap3A_117], %swap3A_120 {strides = array<i32>} : memref<1024xf32, #tpu.memory_space<vmem>>, vector<16xf32>,
    %broadcast_in_dim3A_121 = arith.constant 0.000000e+00 : f32
    %broadcast_in_dim3A_122 = vector.broadcast %broadcast_in_dim3A_121 : f32 to vector<16xf32>
    %swap3A_123 = arith.constant 320 : index
    %swap3A_124 = tpu.vector_load %arg6[%swap3A_123] {strides = array<i32>} : memref<1024xf32, #tpu.memory_space<vmem>>, vector<16xf32>,
    %swap3A_125 = vector.shape_cast %swap3A_124 : vector<16xf32> to vector<16xf32>
    %swap3A_126 = vector.shape_cast %broadcast_in_dim3A_122 : vector<16xf32> to vector<16xf32>
    tpu.vector_store %arg6[%swap3A_123], %swap3A_126 {strides = array<i32>} : memref<1024xf32, #tpu.memory_space<vmem>>, vector<16xf32>,
    %broadcast_in_dim3A_127 = arith.constant 0.000000e+00 : f32
    %broadcast_in_dim3A_128 = vector.broadcast %broadcast_in_dim3A_127 : f32 to vector<16xf32>
    %swap3A_129 = arith.constant 336 : index
    %swap3A_130 = tpu.vector_load %arg6[%swap3A_129] {strides = array<i32>} : memref<1024xf32, #tpu.memory_space<vmem>>, vector<16xf32>,
    %swap3A_131 = vector.shape_cast %swap3A_130 : vector<16xf32> to vector<16xf32>
    %swap3A_132 = vector.shape_cast %broadcast_in_dim3A_128 : vector<16xf32> to vector<16xf32>
    tpu.vector_store %arg6[%swap3A_129], %swap3A_132 {strides = array<i32>} : memref<1024xf32, #tpu.memory_space<vmem>>, vector<16xf32>,
    %broadcast_in_dim3A_133 = arith.constant 0.000000e+00 : f32
    %broadcast_in_dim3A_134 = vector.broadcast %broadcast_in_dim3A_133 : f32 to vector<16xf32>
    %swap3A_135 = arith.constant 352 : index
    %swap3A_136 = tpu.vector_load %arg6[%swap3A_135] {strides = array<i32>} : memref<1024xf32, #tpu.memory_space<vmem>>, vector<16xf32>,
    %swap3A_137 = vector.shape_cast %swap3A_136 : vector<16xf32> to vector<16xf32>
    %swap3A_138 = vector.shape_cast %broadcast_in_dim3A_134 : vector<16xf32> to vector<16xf32>
    tpu.vector_store %arg6[%swap3A_135], %swap3A_138 {strides = array<i32>} : memref<1024xf32, #tpu.memory_space<vmem>>, vector<16xf32>,
    %broadcast_in_dim3A_139 = arith.constant 0.000000e+00 : f32
    %broadcast_in_dim3A_140 = vector.broadcast %broadcast_in_dim3A_139 : f32 to vector<16xf32>
    %swap3A_141 = arith.constant 368 : index
    %swap3A_142 = tpu.vector_load %arg6[%swap3A_141] {strides = array<i32>} : memref<1024xf32, #tpu.memory_space<vmem>>, vector<16xf32>,
    %swap3A_143 = vector.shape_cast %swap3A_142 : vector<16xf32> to vector<16xf32>
    %swap3A_144 = vector.shape_cast %broadcast_in_dim3A_140 : vector<16xf32> to vector<16xf32>
    tpu.vector_store %arg6[%swap3A_141], %swap3A_144 {strides = array<i32>} : memref<1024xf32, #tpu.memory_space<vmem>>, vector<16xf32>,
    %broadcast_in_dim3A_145 = arith.constant 0.000000e+00 : f32
    %broadcast_in_dim3A_146 = vector.broadcast %broadcast_in_dim3A_145 : f32 to vector<16xf32>
    %swap3A_147 = arith.constant 384 : index
    %swap3A_148 = tpu.vector_load %arg6[%swap3A_147] {strides = array<i32>} : memref<1024xf32, #tpu.memory_space<vmem>>, vector<16xf32>,
    %swap3A_149 = vector.shape_cast %swap3A_148 : vector<16xf32> to vector<16xf32>
    %swap3A_150 = vector.shape_cast %broadcast_in_dim3A_146 : vector<16xf32> to vector<16xf32>
    tpu.vector_store %arg6[%swap3A_147], %swap3A_150 {strides = array<i32>} : memref<1024xf32, #tpu.memory_space<vmem>>, vector<16xf32>,
    %broadcast_in_dim3A_151 = arith.constant 0.000000e+00 : f32
    %broadcast_in_dim3A_152 = vector.broadcast %broadcast_in_dim3A_151 : f32 to vector<16xf32>
    %swap3A_153 = arith.constant 400 : index
    %swap3A_154 = tpu.vector_load %arg6[%swap3A_153] {strides = array<i32>} : memref<1024xf32, #tpu.memory_space<vmem>>, vector<16xf32>,
    %swap3A_155 = vector.shape_cast %swap3A_154 : vector<16xf32> to vector<16xf32>
    %swap3A_156 = vector.shape_cast %broadcast_in_dim3A_152 : vector<16xf32> to vector<16xf32>
    tpu.vector_store %arg6[%swap3A_153], %swap3A_156 {strides = array<i32>} : memref<1024xf32, #tpu.memory_space<vmem>>, vector<16xf32>,
    %broadcast_in_dim3A_157 = arith.constant 0.000000e+00 : f32
    %broadcast_in_dim3A_158 = vector.broadcast %broadcast_in_dim3A_157 : f32 to vector<16xf32>
    %swap3A_159 = arith.constant 416 : index
    %swap3A_160 = tpu.vector_load %arg6[%swap3A_159] {strides = array<i32>} : memref<1024xf32, #tpu.memory_space<vmem>>, vector<16xf32>,
    %swap3A_161 = vector.shape_cast %swap3A_160 : vector<16xf32> to vector<16xf32>
    %swap3A_162 = vector.shape_cast %broadcast_in_dim3A_158 : vector<16xf32> to vector<16xf32>
    tpu.vector_store %arg6[%swap3A_159], %swap3A_162 {strides = array<i32>} : memref<1024xf32, #tpu.memory_space<vmem>>, vector<16xf32>,
    %broadcast_in_dim3A_163 = arith.constant 0.000000e+00 : f32
    %broadcast_in_dim3A_164 = vector.broadcast %broadcast_in_dim3A_163 : f32 to vector<16xf32>
    %swap3A_165 = arith.constant 432 : index
    %swap3A_166 = tpu.vector_load %arg6[%swap3A_165] {strides = array<i32>} : memref<1024xf32, #tpu.memory_space<vmem>>, vector<16xf32>,
    %swap3A_167 = vector.shape_cast %swap3A_166 : vector<16xf32> to vector<16xf32>
    %swap3A_168 = vector.shape_cast %broadcast_in_dim3A_164 : vector<16xf32> to vector<16xf32>
    tpu.vector_store %arg6[%swap3A_165], %swap3A_168 {strides = array<i32>} : memref<1024xf32, #tpu.memory_space<vmem>>, vector<16xf32>,
    %broadcast_in_dim3A_169 = arith.constant 0.000000e+00 : f32
    %broadcast_in_dim3A_170 = vector.broadcast %broadcast_in_dim3A_169 : f32 to vector<16xf32>
    %swap3A_171 = arith.constant 448 : index
    %swap3A_172 = tpu.vector_load %arg6[%swap3A_171] {strides = array<i32>} : memref<1024xf32, #tpu.memory_space<vmem>>, vector<16xf32>,
    %swap3A_173 = vector.shape_cast %swap3A_172 : vector<16xf32> to vector<16xf32>
    %swap3A_174 = vector.shape_cast %broadcast_in_dim3A_170 : vector<16xf32> to vector<16xf32>
    tpu.vector_store %arg6[%swap3A_171], %swap3A_174 {strides = array<i32>} : memref<1024xf32, #tpu.memory_space<vmem>>, vector<16xf32>,
    %broadcast_in_dim3A_175 = arith.constant 0.000000e+00 : f32
    %broadcast_in_dim3A_176 = vector.broadcast %broadcast_in_dim3A_175 : f32 to vector<16xf32>
    %swap3A_177 = arith.constant 464 : index
    %swap3A_178 = tpu.vector_load %arg6[%swap3A_177] {strides = array<i32>} : memref<1024xf32, #tpu.memory_space<vmem>>, vector<16xf32>,
    %swap3A_179 = vector.shape_cast %swap3A_178 : vector<16xf32> to vector<16xf32>
    %swap3A_180 = vector.shape_cast %broadcast_in_dim3A_176 : vector<16xf32> to vector<16xf32>
    tpu.vector_store %arg6[%swap3A_177], %swap3A_180 {strides = array<i32>} : memref<1024xf32, #tpu.memory_space<vmem>>, vector<16xf32>,
    %broadcast_in_dim3A_181 = arith.constant 0.000000e+00 : f32
    %broadcast_in_dim3A_182 = vector.broadcast %broadcast_in_dim3A_181 : f32 to vector<16xf32>
    %swap3A_183 = arith.constant 480 : index
    %swap3A_184 = tpu.vector_load %arg6[%swap3A_183] {strides = array<i32>} : memref<1024xf32, #tpu.memory_space<vmem>>, vector<16xf32>,
    %swap3A_185 = vector.shape_cast %swap3A_184 : vector<16xf32> to vector<16xf32>
    %swap3A_186 = vector.shape_cast %broadcast_in_dim3A_182 : vector<16xf32> to vector<16xf32>
    tpu.vector_store %arg6[%swap3A_183], %swap3A_186 {strides = array<i32>} : memref<1024xf32, #tpu.memory_space<vmem>>, vector<16xf32>,
    %broadcast_in_dim3A_187 = arith.constant 0.000000e+00 : f32
    %broadcast_in_dim3A_188 = vector.broadcast %broadcast_in_dim3A_187 : f32 to vector<16xf32>
    %swap3A_189 = arith.constant 496 : index
    %swap3A_190 = tpu.vector_load %arg6[%swap3A_189] {strides = array<i32>} : memref<1024xf32, #tpu.memory_space<vmem>>, vector<16xf32>,
    %swap3A_191 = vector.shape_cast %swap3A_190 : vector<16xf32> to vector<16xf32>
    %swap3A_192 = vector.shape_cast %broadcast_in_dim3A_188 : vector<16xf32> to vector<16xf32>
    tpu.vector_store %arg6[%swap3A_189], %swap3A_192 {strides = array<i32>} : memref<1024xf32, #tpu.memory_space<vmem>>, vector<16xf32>,
    %broadcast_in_dim3A_193 = arith.constant 0.000000e+00 : f32
    %broadcast_in_dim3A_194 = vector.broadcast %broadcast_in_dim3A_193 : f32 to vector<16xf32>
    %swap3A_195 = arith.constant 512 : index
    %swap3A_196 = tpu.vector_load %arg6[%swap3A_195] {strides = array<i32>} : memref<1024xf32, #tpu.memory_space<vmem>>, vector<16xf32>,
    %swap3A_197 = vector.shape_cast %swap3A_196 : vector<16xf32> to vector<16xf32>
    %swap3A_198 = vector.shape_cast %broadcast_in_dim3A_194 : vector<16xf32> to vector<16xf32>
    tpu.vector_store %arg6[%swap3A_195], %swap3A_198 {strides = array<i32>} : memref<1024xf32, #tpu.memory_space<vmem>>, vector<16xf32>,
    %broadcast_in_dim3A_199 = arith.constant 0.000000e+00 : f32
    %broadcast_in_dim3A_200 = vector.broadcast %broadcast_in_dim3A_199 : f32 to vector<16xf32>
    %swap3A_201 = arith.constant 528 : index
    %swap3A_202 = tpu.vector_load %arg6[%swap3A_201] {strides = array<i32>} : memref<1024xf32, #tpu.memory_space<vmem>>, vector<16xf32>,
    %swap3A_203 = vector.shape_cast %swap3A_202 : vector<16xf32> to vector<16xf32>
    %swap3A_204 = vector.shape_cast %broadcast_in_dim3A_200 : vector<16xf32> to vector<16xf32>
    tpu.vector_store %arg6[%swap3A_201], %swap3A_204 {strides = array<i32>} : memref<1024xf32, #tpu.memory_space<vmem>>, vector<16xf32>,
    %broadcast_in_dim3A_205 = arith.constant 0.000000e+00 : f32
    %broadcast_in_dim3A_206 = vector.broadcast %broadcast_in_dim3A_205 : f32 to vector<16xf32>
    %swap3A_207 = arith.constant 544 : index
    %swap3A_208 = tpu.vector_load %arg6[%swap3A_207] {strides = array<i32>} : memref<1024xf32, #tpu.memory_space<vmem>>, vector<16xf32>,
    %swap3A_209 = vector.shape_cast %swap3A_208 : vector<16xf32> to vector<16xf32>
    %swap3A_210 = vector.shape_cast %broadcast_in_dim3A_206 : vector<16xf32> to vector<16xf32>
    tpu.vector_store %arg6[%swap3A_207], %swap3A_210 {strides = array<i32>} : memref<1024xf32, #tpu.memory_space<vmem>>, vector<16xf32>,
    %broadcast_in_dim3A_211 = arith.constant 0.000000e+00 : f32
    %broadcast_in_dim3A_212 = vector.broadcast %broadcast_in_dim3A_211 : f32 to vector<16xf32>
    %swap3A_213 = arith.constant 560 : index
    %swap3A_214 = tpu.vector_load %arg6[%swap3A_213] {strides = array<i32>} : memref<1024xf32, #tpu.memory_space<vmem>>, vector<16xf32>,
    %swap3A_215 = vector.shape_cast %swap3A_214 : vector<16xf32> to vector<16xf32>
    %swap3A_216 = vector.shape_cast %broadcast_in_dim3A_212 : vector<16xf32> to vector<16xf32>
    tpu.vector_store %arg6[%swap3A_213], %swap3A_216 {strides = array<i32>} : memref<1024xf32, #tpu.memory_space<vmem>>, vector<16xf32>,
    %broadcast_in_dim3A_217 = arith.constant 0.000000e+00 : f32
    %broadcast_in_dim3A_218 = vector.broadcast %broadcast_in_dim3A_217 : f32 to vector<16xf32>
    %swap3A_219 = arith.constant 576 : index
    %swap3A_220 = tpu.vector_load %arg6[%swap3A_219] {strides = array<i32>} : memref<1024xf32, #tpu.memory_space<vmem>>, vector<16xf32>,
    %swap3A_221 = vector.shape_cast %swap3A_220 : vector<16xf32> to vector<16xf32>
    %swap3A_222 = vector.shape_cast %broadcast_in_dim3A_218 : vector<16xf32> to vector<16xf32>
    tpu.vector_store %arg6[%swap3A_219], %swap3A_222 {strides = array<i32>} : memref<1024xf32, #tpu.memory_space<vmem>>, vector<16xf32>,
    %broadcast_in_dim3A_223 = arith.constant 0.000000e+00 : f32
    %broadcast_in_dim3A_224 = vector.broadcast %broadcast_in_dim3A_223 : f32 to vector<16xf32>
    %swap3A_225 = arith.constant 592 : index
    %swap3A_226 = tpu.vector_load %arg6[%swap3A_225] {strides = array<i32>} : memref<1024xf32, #tpu.memory_space<vmem>>, vector<16xf32>,
    %swap3A_227 = vector.shape_cast %swap3A_226 : vector<16xf32> to vector<16xf32>
    %swap3A_228 = vector.shape_cast %broadcast_in_dim3A_224 : vector<16xf32> to vector<16xf32>
    tpu.vector_store %arg6[%swap3A_225], %swap3A_228 {strides = array<i32>} : memref<1024xf32, #tpu.memory_space<vmem>>, vector<16xf32>,
    %broadcast_in_dim3A_229 = arith.constant 0.000000e+00 : f32
    %broadcast_in_dim3A_230 = vector.broadcast %broadcast_in_dim3A_229 : f32 to vector<16xf32>
    %swap3A_231 = arith.constant 608 : index
    %swap3A_232 = tpu.vector_load %arg6[%swap3A_231] {strides = array<i32>} : memref<1024xf32, #tpu.memory_space<vmem>>, vector<16xf32>,
    %swap3A_233 = vector.shape_cast %swap3A_232 : vector<16xf32> to vector<16xf32>
    %swap3A_234 = vector.shape_cast %broadcast_in_dim3A_230 : vector<16xf32> to vector<16xf32>
    tpu.vector_store %arg6[%swap3A_231], %swap3A_234 {strides = array<i32>} : memref<1024xf32, #tpu.memory_space<vmem>>, vector<16xf32>,
    %broadcast_in_dim3A_235 = arith.constant 0.000000e+00 : f32
    %broadcast_in_dim3A_236 = vector.broadcast %broadcast_in_dim3A_235 : f32 to vector<16xf32>
    %swap3A_237 = arith.constant 624 : index
    %swap3A_238 = tpu.vector_load %arg6[%swap3A_237] {strides = array<i32>} : memref<1024xf32, #tpu.memory_space<vmem>>, vector<16xf32>,
    %swap3A_239 = vector.shape_cast %swap3A_238 : vector<16xf32> to vector<16xf32>
    %swap3A_240 = vector.shape_cast %broadcast_in_dim3A_236 : vector<16xf32> to vector<16xf32>
    tpu.vector_store %arg6[%swap3A_237], %swap3A_240 {strides = array<i32>} : memref<1024xf32, #tpu.memory_space<vmem>>, vector<16xf32>,
    %broadcast_in_dim3A_241 = arith.constant 0.000000e+00 : f32
    %broadcast_in_dim3A_242 = vector.broadcast %broadcast_in_dim3A_241 : f32 to vector<16xf32>
    %swap3A_243 = arith.constant 640 : index
    %swap3A_244 = tpu.vector_load %arg6[%swap3A_243] {strides = array<i32>} : memref<1024xf32, #tpu.memory_space<vmem>>, vector<16xf32>,
    %swap3A_245 = vector.shape_cast %swap3A_244 : vector<16xf32> to vector<16xf32>
    %swap3A_246 = vector.shape_cast %broadcast_in_dim3A_242 : vector<16xf32> to vector<16xf32>
    tpu.vector_store %arg6[%swap3A_243], %swap3A_246 {strides = array<i32>} : memref<1024xf32, #tpu.memory_space<vmem>>, vector<16xf32>,
    %broadcast_in_dim3A_247 = arith.constant 0.000000e+00 : f32
    %broadcast_in_dim3A_248 = vector.broadcast %broadcast_in_dim3A_247 : f32 to vector<16xf32>
    %swap3A_249 = arith.constant 656 : index
    %swap3A_250 = tpu.vector_load %arg6[%swap3A_249] {strides = array<i32>} : memref<1024xf32, #tpu.memory_space<vmem>>, vector<16xf32>,
    %swap3A_251 = vector.shape_cast %swap3A_250 : vector<16xf32> to vector<16xf32>
    %swap3A_252 = vector.shape_cast %broadcast_in_dim3A_248 : vector<16xf32> to vector<16xf32>
    tpu.vector_store %arg6[%swap3A_249], %swap3A_252 {strides = array<i32>} : memref<1024xf32, #tpu.memory_space<vmem>>, vector<16xf32>,
    %broadcast_in_dim3A_253 = arith.constant 0.000000e+00 : f32
    %broadcast_in_dim3A_254 = vector.broadcast %broadcast_in_dim3A_253 : f32 to vector<16xf32>
    %swap3A_255 = arith.constant 672 : index
    %swap3A_256 = tpu.vector_load %arg6[%swap3A_255] {strides = array<i32>} : memref<1024xf32, #tpu.memory_space<vmem>>, vector<16xf32>,
    %swap3A_257 = vector.shape_cast %swap3A_256 : vector<16xf32> to vector<16xf32>
    %swap3A_258 = vector.shape_cast %broadcast_in_dim3A_254 : vector<16xf32> to vector<16xf32>
    tpu.vector_store %arg6[%swap3A_255], %swap3A_258 {strides = array<i32>} : memref<1024xf32, #tpu.memory_space<vmem>>, vector<16xf32>,
    %broadcast_in_dim3A_259 = arith.constant 0.000000e+00 : f32
    %broadcast_in_dim3A_260 = vector.broadcast %broadcast_in_dim3A_259 : f32 to vector<16xf32>
    %swap3A_261 = arith.constant 688 : index
    %swap3A_262 = tpu.vector_load %arg6[%swap3A_261] {strides = array<i32>} : memref<1024xf32, #tpu.memory_space<vmem>>, vector<16xf32>,
    %swap3A_263 = vector.shape_cast %swap3A_262 : vector<16xf32> to vector<16xf32>
    %swap3A_264 = vector.shape_cast %broadcast_in_dim3A_260 : vector<16xf32> to vector<16xf32>
    tpu.vector_store %arg6[%swap3A_261], %swap3A_264 {strides = array<i32>} : memref<1024xf32, #tpu.memory_space<vmem>>, vector<16xf32>,
    %broadcast_in_dim3A_265 = arith.constant 0.000000e+00 : f32
    %broadcast_in_dim3A_266 = vector.broadcast %broadcast_in_dim3A_265 : f32 to vector<16xf32>
    %swap3A_267 = arith.constant 704 : index
    %swap3A_268 = tpu.vector_load %arg6[%swap3A_267] {strides = array<i32>} : memref<1024xf32, #tpu.memory_space<vmem>>, vector<16xf32>,
    %swap3A_269 = vector.shape_cast %swap3A_268 : vector<16xf32> to vector<16xf32>
    %swap3A_270 = vector.shape_cast %broadcast_in_dim3A_266 : vector<16xf32> to vector<16xf32>
    tpu.vector_store %arg6[%swap3A_267], %swap3A_270 {strides = array<i32>} : memref<1024xf32, #tpu.memory_space<vmem>>, vector<16xf32>,
    %broadcast_in_dim3A_271 = arith.constant 0.000000e+00 : f32
    %broadcast_in_dim3A_272 = vector.broadcast %broadcast_in_dim3A_271 : f32 to vector<16xf32>
    %swap3A_273 = arith.constant 720 : index
    %swap3A_274 = tpu.vector_load %arg6[%swap3A_273] {strides = array<i32>} : memref<1024xf32, #tpu.memory_space<vmem>>, vector<16xf32>,
    %swap3A_275 = vector.shape_cast %swap3A_274 : vector<16xf32> to vector<16xf32>
    %swap3A_276 = vector.shape_cast %broadcast_in_dim3A_272 : vector<16xf32> to vector<16xf32>
    tpu.vector_store %arg6[%swap3A_273], %swap3A_276 {strides = array<i32>} : memref<1024xf32, #tpu.memory_space<vmem>>, vector<16xf32>,
    %broadcast_in_dim3A_277 = arith.constant 0.000000e+00 : f32
    %broadcast_in_dim3A_278 = vector.broadcast %broadcast_in_dim3A_277 : f32 to vector<16xf32>
    %swap3A_279 = arith.constant 736 : index
    %swap3A_280 = tpu.vector_load %arg6[%swap3A_279] {strides = array<i32>} : memref<1024xf32, #tpu.memory_space<vmem>>, vector<16xf32>,
    %swap3A_281 = vector.shape_cast %swap3A_280 : vector<16xf32> to vector<16xf32>
    %swap3A_282 = vector.shape_cast %broadcast_in_dim3A_278 : vector<16xf32> to vector<16xf32>
    tpu.vector_store %arg6[%swap3A_279], %swap3A_282 {strides = array<i32>} : memref<1024xf32, #tpu.memory_space<vmem>>, vector<16xf32>,
    %broadcast_in_dim3A_283 = arith.constant 0.000000e+00 : f32
    %broadcast_in_dim3A_284 = vector.broadcast %broadcast_in_dim3A_283 : f32 to vector<16xf32>
    %swap3A_285 = arith.constant 752 : index
    %swap3A_286 = tpu.vector_load %arg6[%swap3A_285] {strides = array<i32>} : memref<1024xf32, #tpu.memory_space<vmem>>, vector<16xf32>,
    %swap3A_287 = vector.shape_cast %swap3A_286 : vector<16xf32> to vector<16xf32>
    %swap3A_288 = vector.shape_cast %broadcast_in_dim3A_284 : vector<16xf32> to vector<16xf32>
    tpu.vector_store %arg6[%swap3A_285], %swap3A_288 {strides = array<i32>} : memref<1024xf32, #tpu.memory_space<vmem>>, vector<16xf32>,
    %broadcast_in_dim3A_289 = arith.constant 0.000000e+00 : f32
    %broadcast_in_dim3A_290 = vector.broadcast %broadcast_in_dim3A_289 : f32 to vector<16xf32>
    %swap3A_291 = arith.constant 768 : index
    %swap3A_292 = tpu.vector_load %arg6[%swap3A_291] {strides = array<i32>} : memref<1024xf32, #tpu.memory_space<vmem>>, vector<16xf32>,
    %swap3A_293 = vector.shape_cast %swap3A_292 : vector<16xf32> to vector<16xf32>
    %swap3A_294 = vector.shape_cast %broadcast_in_dim3A_290 : vector<16xf32> to vector<16xf32>
    tpu.vector_store %arg6[%swap3A_291], %swap3A_294 {strides = array<i32>} : memref<1024xf32, #tpu.memory_space<vmem>>, vector<16xf32>,
    %broadcast_in_dim3A_295 = arith.constant 0.000000e+00 : f32
    %broadcast_in_dim3A_296 = vector.broadcast %broadcast_in_dim3A_295 : f32 to vector<16xf32>
    %swap3A_297 = arith.constant 784 : index
    %swap3A_298 = tpu.vector_load %arg6[%swap3A_297] {strides = array<i32>} : memref<1024xf32, #tpu.memory_space<vmem>>, vector<16xf32>,
    %swap3A_299 = vector.shape_cast %swap3A_298 : vector<16xf32> to vector<16xf32>
    %swap3A_300 = vector.shape_cast %broadcast_in_dim3A_296 : vector<16xf32> to vector<16xf32>
    tpu.vector_store %arg6[%swap3A_297], %swap3A_300 {strides = array<i32>} : memref<1024xf32, #tpu.memory_space<vmem>>, vector<16xf32>,
    %broadcast_in_dim3A_301 = arith.constant 0.000000e+00 : f32
    %broadcast_in_dim3A_302 = vector.broadcast %broadcast_in_dim3A_301 : f32 to vector<16xf32>
    %swap3A_303 = arith.constant 800 : index
    %swap3A_304 = tpu.vector_load %arg6[%swap3A_303] {strides = array<i32>} : memref<1024xf32, #tpu.memory_space<vmem>>, vector<16xf32>,
    %swap3A_305 = vector.shape_cast %swap3A_304 : vector<16xf32> to vector<16xf32>
    %swap3A_306 = vector.shape_cast %broadcast_in_dim3A_302 : vector<16xf32> to vector<16xf32>
    tpu.vector_store %arg6[%swap3A_303], %swap3A_306 {strides = array<i32>} : memref<1024xf32, #tpu.memory_space<vmem>>, vector<16xf32>,
    %broadcast_in_dim3A_307 = arith.constant 0.000000e+00 : f32
    %broadcast_in_dim3A_308 = vector.broadcast %broadcast_in_dim3A_307 : f32 to vector<16xf32>
    %swap3A_309 = arith.constant 816 : index
    %swap3A_310 = tpu.vector_load %arg6[%swap3A_309] {strides = array<i32>} : memref<1024xf32, #tpu.memory_space<vmem>>, vector<16xf32>,
    %swap3A_311 = vector.shape_cast %swap3A_310 : vector<16xf32> to vector<16xf32>
    %swap3A_312 = vector.shape_cast %broadcast_in_dim3A_308 : vector<16xf32> to vector<16xf32>
    tpu.vector_store %arg6[%swap3A_309], %swap3A_312 {strides = array<i32>} : memref<1024xf32, #tpu.memory_space<vmem>>, vector<16xf32>,
    %broadcast_in_dim3A_313 = arith.constant 0.000000e+00 : f32
    %broadcast_in_dim3A_314 = vector.broadcast %broadcast_in_dim3A_313 : f32 to vector<16xf32>
    %swap3A_315 = arith.constant 832 : index
    %swap3A_316 = tpu.vector_load %arg6[%swap3A_315] {strides = array<i32>} : memref<1024xf32, #tpu.memory_space<vmem>>, vector<16xf32>,
    %swap3A_317 = vector.shape_cast %swap3A_316 : vector<16xf32> to vector<16xf32>
    %swap3A_318 = vector.shape_cast %broadcast_in_dim3A_314 : vector<16xf32> to vector<16xf32>
    tpu.vector_store %arg6[%swap3A_315], %swap3A_318 {strides = array<i32>} : memref<1024xf32, #tpu.memory_space<vmem>>, vector<16xf32>,
    %broadcast_in_dim3A_319 = arith.constant 0.000000e+00 : f32
    %broadcast_in_dim3A_320 = vector.broadcast %broadcast_in_dim3A_319 : f32 to vector<16xf32>
    %swap3A_321 = arith.constant 848 : index
    %swap3A_322 = tpu.vector_load %arg6[%swap3A_321] {strides = array<i32>} : memref<1024xf32, #tpu.memory_space<vmem>>, vector<16xf32>,
    %swap3A_323 = vector.shape_cast %swap3A_322 : vector<16xf32> to vector<16xf32>
    %swap3A_324 = vector.shape_cast %broadcast_in_dim3A_320 : vector<16xf32> to vector<16xf32>
    tpu.vector_store %arg6[%swap3A_321], %swap3A_324 {strides = array<i32>} : memref<1024xf32, #tpu.memory_space<vmem>>, vector<16xf32>,
    %broadcast_in_dim3A_325 = arith.constant 0.000000e+00 : f32
    %broadcast_in_dim3A_326 = vector.broadcast %broadcast_in_dim3A_325 : f32 to vector<16xf32>
    %swap3A_327 = arith.constant 864 : index
    %swap3A_328 = tpu.vector_load %arg6[%swap3A_327] {strides = array<i32>} : memref<1024xf32, #tpu.memory_space<vmem>>, vector<16xf32>,
    %swap3A_329 = vector.shape_cast %swap3A_328 : vector<16xf32> to vector<16xf32>
    %swap3A_330 = vector.shape_cast %broadcast_in_dim3A_326 : vector<16xf32> to vector<16xf32>
    tpu.vector_store %arg6[%swap3A_327], %swap3A_330 {strides = array<i32>} : memref<1024xf32, #tpu.memory_space<vmem>>, vector<16xf32>,
    %broadcast_in_dim3A_331 = arith.constant 0.000000e+00 : f32
    %broadcast_in_dim3A_332 = vector.broadcast %broadcast_in_dim3A_331 : f32 to vector<16xf32>
    %swap3A_333 = arith.constant 880 : index
    %swap3A_334 = tpu.vector_load %arg6[%swap3A_333] {strides = array<i32>} : memref<1024xf32, #tpu.memory_space<vmem>>, vector<16xf32>,
    %swap3A_335 = vector.shape_cast %swap3A_334 : vector<16xf32> to vector<16xf32>
    %swap3A_336 = vector.shape_cast %broadcast_in_dim3A_332 : vector<16xf32> to vector<16xf32>
    tpu.vector_store %arg6[%swap3A_333], %swap3A_336 {strides = array<i32>} : memref<1024xf32, #tpu.memory_space<vmem>>, vector<16xf32>,
    %broadcast_in_dim3A_337 = arith.constant 0.000000e+00 : f32
    %broadcast_in_dim3A_338 = vector.broadcast %broadcast_in_dim3A_337 : f32 to vector<16xf32>
    %swap3A_339 = arith.constant 896 : index
    %swap3A_340 = tpu.vector_load %arg6[%swap3A_339] {strides = array<i32>} : memref<1024xf32, #tpu.memory_space<vmem>>, vector<16xf32>,
    %swap3A_341 = vector.shape_cast %swap3A_340 : vector<16xf32> to vector<16xf32>
    %swap3A_342 = vector.shape_cast %broadcast_in_dim3A_338 : vector<16xf32> to vector<16xf32>
    tpu.vector_store %arg6[%swap3A_339], %swap3A_342 {strides = array<i32>} : memref<1024xf32, #tpu.memory_space<vmem>>, vector<16xf32>,
    %broadcast_in_dim3A_343 = arith.constant 0.000000e+00 : f32
    %broadcast_in_dim3A_344 = vector.broadcast %broadcast_in_dim3A_343 : f32 to vector<16xf32>
    %swap3A_345 = arith.constant 912 : index
    %swap3A_346 = tpu.vector_load %arg6[%swap3A_345] {strides = array<i32>} : memref<1024xf32, #tpu.memory_space<vmem>>, vector<16xf32>,
    %swap3A_347 = vector.shape_cast %swap3A_346 : vector<16xf32> to vector<16xf32>
    %swap3A_348 = vector.shape_cast %broadcast_in_dim3A_344 : vector<16xf32> to vector<16xf32>
    tpu.vector_store %arg6[%swap3A_345], %swap3A_348 {strides = array<i32>} : memref<1024xf32, #tpu.memory_space<vmem>>, vector<16xf32>,
    %broadcast_in_dim3A_349 = arith.constant 0.000000e+00 : f32
    %broadcast_in_dim3A_350 = vector.broadcast %broadcast_in_dim3A_349 : f32 to vector<16xf32>
    %swap3A_351 = arith.constant 928 : index
    %swap3A_352 = tpu.vector_load %arg6[%swap3A_351] {strides = array<i32>} : memref<1024xf32, #tpu.memory_space<vmem>>, vector<16xf32>,
    %swap3A_353 = vector.shape_cast %swap3A_352 : vector<16xf32> to vector<16xf32>
    %swap3A_354 = vector.shape_cast %broadcast_in_dim3A_350 : vector<16xf32> to vector<16xf32>
    tpu.vector_store %arg6[%swap3A_351], %swap3A_354 {strides = array<i32>} : memref<1024xf32, #tpu.memory_space<vmem>>, vector<16xf32>,
    %broadcast_in_dim3A_355 = arith.constant 0.000000e+00 : f32
    %broadcast_in_dim3A_356 = vector.broadcast %broadcast_in_dim3A_355 : f32 to vector<16xf32>
    %swap3A_357 = arith.constant 944 : index
    %swap3A_358 = tpu.vector_load %arg6[%swap3A_357] {strides = array<i32>} : memref<1024xf32, #tpu.memory_space<vmem>>, vector<16xf32>,
    %swap3A_359 = vector.shape_cast %swap3A_358 : vector<16xf32> to vector<16xf32>
    %swap3A_360 = vector.shape_cast %broadcast_in_dim3A_356 : vector<16xf32> to vector<16xf32>
    tpu.vector_store %arg6[%swap3A_357], %swap3A_360 {strides = array<i32>} : memref<1024xf32, #tpu.memory_space<vmem>>, vector<16xf32>,
    %broadcast_in_dim3A_361 = arith.constant 0.000000e+00 : f32
    %broadcast_in_dim3A_362 = vector.broadcast %broadcast_in_dim3A_361 : f32 to vector<16xf32>
    %swap3A_363 = arith.constant 960 : index
    %swap3A_364 = tpu.vector_load %arg6[%swap3A_363] {strides = array<i32>} : memref<1024xf32, #tpu.memory_space<vmem>>, vector<16xf32>,
    %swap3A_365 = vector.shape_cast %swap3A_364 : vector<16xf32> to vector<16xf32>
    %swap3A_366 = vector.shape_cast %broadcast_in_dim3A_362 : vector<16xf32> to vector<16xf32>
    tpu.vector_store %arg6[%swap3A_363], %swap3A_366 {strides = array<i32>} : memref<1024xf32, #tpu.memory_space<vmem>>, vector<16xf32>,
    %broadcast_in_dim3A_367 = arith.constant 0.000000e+00 : f32
    %broadcast_in_dim3A_368 = vector.broadcast %broadcast_in_dim3A_367 : f32 to vector<16xf32>
    %swap3A_369 = arith.constant 976 : index
    %swap3A_370 = tpu.vector_load %arg6[%swap3A_369] {strides = array<i32>} : memref<1024xf32, #tpu.memory_space<vmem>>, vector<16xf32>,
    %swap3A_371 = vector.shape_cast %swap3A_370 : vector<16xf32> to vector<16xf32>
    %swap3A_372 = vector.shape_cast %broadcast_in_dim3A_368 : vector<16xf32> to vector<16xf32>
    tpu.vector_store %arg6[%swap3A_369], %swap3A_372 {strides = array<i32>} : memref<1024xf32, #tpu.memory_space<vmem>>, vector<16xf32>,
    %broadcast_in_dim3A_373 = arith.constant 0.000000e+00 : f32
    %broadcast_in_dim3A_374 = vector.broadcast %broadcast_in_dim3A_373 : f32 to vector<16xf32>
    %swap3A_375 = arith.constant 992 : index
    %swap3A_376 = tpu.vector_load %arg6[%swap3A_375] {strides = array<i32>} : memref<1024xf32, #tpu.memory_space<vmem>>, vector<16xf32>,
    %swap3A_377 = vector.shape_cast %swap3A_376 : vector<16xf32> to vector<16xf32>
    %swap3A_378 = vector.shape_cast %broadcast_in_dim3A_374 : vector<16xf32> to vector<16xf32>
    tpu.vector_store %arg6[%swap3A_375], %swap3A_378 {strides = array<i32>} : memref<1024xf32, #tpu.memory_space<vmem>>, vector<16xf32>,
    %broadcast_in_dim3A_379 = arith.constant 0.000000e+00 : f32
    %broadcast_in_dim3A_380 = vector.broadcast %broadcast_in_dim3A_379 : f32 to vector<16xf32>
    %swap3A_381 = arith.constant 1008 : index
    %swap3A_382 = tpu.vector_load %arg6[%swap3A_381] {strides = array<i32>} : memref<1024xf32, #tpu.memory_space<vmem>>, vector<16xf32>,
    %swap3A_383 = vector.shape_cast %swap3A_382 : vector<16xf32> to vector<16xf32>
    %swap3A_384 = vector.shape_cast %broadcast_in_dim3A_380 : vector<16xf32> to vector<16xf32>
    tpu.vector_store %arg6[%swap3A_381], %swap3A_384 {strides = array<i32>} : memref<1024xf32, #tpu.memory_space<vmem>>, vector<16xf32>,
    %broadcast_in_dim3A_385 = arith.constant 1.000000e+00 : f32
    %broadcast_in_dim3A_386 = vector.broadcast %broadcast_in_dim3A_385 : f32 to vector<16xf32>
    %swap3A_387 = arith.constant 0 : index
    %swap3A_388 = tpu.vector_load %arg5[%swap3A_387] {strides = array<i32>} : memref<128xf32, #tpu.memory_space<vmem>>, vector<16xf32>,
    %swap3A_389 = vector.shape_cast %swap3A_388 : vector<16xf32> to vector<16xf32>
    %swap3A_390 = vector.shape_cast %broadcast_in_dim3A_386 : vector<16xf32> to vector<16xf32>
    tpu.vector_store %arg5[%swap3A_387], %swap3A_390 {strides = array<i32>} : memref<128xf32, #tpu.memory_space<vmem>>, vector<16xf32>,
    %broadcast_in_dim3A_391 = arith.constant 1.000000e+00 : f32
    %broadcast_in_dim3A_392 = vector.broadcast %broadcast_in_dim3A_391 : f32 to vector<16xf32>
    %swap3A_393 = arith.constant 16 : index
    %swap3A_394 = tpu.vector_load %arg5[%swap3A_393] {strides = array<i32>} : memref<128xf32, #tpu.memory_space<vmem>>, vector<16xf32>,
    %swap3A_395 = vector.shape_cast %swap3A_394 : vector<16xf32> to vector<16xf32>
    %swap3A_396 = vector.shape_cast %broadcast_in_dim3A_392 : vector<16xf32> to vector<16xf32>
    tpu.vector_store %arg5[%swap3A_393], %swap3A_396 {strides = array<i32>} : memref<128xf32, #tpu.memory_space<vmem>>, vector<16xf32>,
    %broadcast_in_dim3A_397 = arith.constant 1.000000e+00 : f32
    %broadcast_in_dim3A_398 = vector.broadcast %broadcast_in_dim3A_397 : f32 to vector<16xf32>
    %swap3A_399 = arith.constant 32 : index
    %swap3A_400 = tpu.vector_load %arg5[%swap3A_399] {strides = array<i32>} : memref<128xf32, #tpu.memory_space<vmem>>, vector<16xf32>,
    %swap3A_401 = vector.shape_cast %swap3A_400 : vector<16xf32> to vector<16xf32>
    %swap3A_402 = vector.shape_cast %broadcast_in_dim3A_398 : vector<16xf32> to vector<16xf32>
    tpu.vector_store %arg5[%swap3A_399], %swap3A_402 {strides = array<i32>} : memref<128xf32, #tpu.memory_space<vmem>>, vector<16xf32>,
    %broadcast_in_dim3A_403 = arith.constant 1.000000e+00 : f32
    %broadcast_in_dim3A_404 = vector.broadcast %broadcast_in_dim3A_403 : f32 to vector<16xf32>
    %swap3A_405 = arith.constant 48 : index
    %swap3A_406 = tpu.vector_load %arg5[%swap3A_405] {strides = array<i32>} : memref<128xf32, #tpu.memory_space<vmem>>, vector<16xf32>,
    %swap3A_407 = vector.shape_cast %swap3A_406 : vector<16xf32> to vector<16xf32>
    %swap3A_408 = vector.shape_cast %broadcast_in_dim3A_404 : vector<16xf32> to vector<16xf32>
    tpu.vector_store %arg5[%swap3A_405], %swap3A_408 {strides = array<i32>} : memref<128xf32, #tpu.memory_space<vmem>>, vector<16xf32>,
    %broadcast_in_dim3A_409 = arith.constant 1.000000e+00 : f32
    %broadcast_in_dim3A_410 = vector.broadcast %broadcast_in_dim3A_409 : f32 to vector<16xf32>
    %swap3A_411 = arith.constant 64 : index
    %swap3A_412 = tpu.vector_load %arg5[%swap3A_411] {strides = array<i32>} : memref<128xf32, #tpu.memory_space<vmem>>, vector<16xf32>,
    %swap3A_413 = vector.shape_cast %swap3A_412 : vector<16xf32> to vector<16xf32>
    %swap3A_414 = vector.shape_cast %broadcast_in_dim3A_410 : vector<16xf32> to vector<16xf32>
    tpu.vector_store %arg5[%swap3A_411], %swap3A_414 {strides = array<i32>} : memref<128xf32, #tpu.memory_space<vmem>>, vector<16xf32>,
    %broadcast_in_dim3A_415 = arith.constant 1.000000e+00 : f32
    %broadcast_in_dim3A_416 = vector.broadcast %broadcast_in_dim3A_415 : f32 to vector<16xf32>
    %swap3A_417 = arith.constant 80 : index
    %swap3A_418 = tpu.vector_load %arg5[%swap3A_417] {strides = array<i32>} : memref<128xf32, #tpu.memory_space<vmem>>, vector<16xf32>,
    %swap3A_419 = vector.shape_cast %swap3A_418 : vector<16xf32> to vector<16xf32>
    %swap3A_420 = vector.shape_cast %broadcast_in_dim3A_416 : vector<16xf32> to vector<16xf32>
    tpu.vector_store %arg5[%swap3A_417], %swap3A_420 {strides = array<i32>} : memref<128xf32, #tpu.memory_space<vmem>>, vector<16xf32>,
    %broadcast_in_dim3A_421 = arith.constant 1.000000e+00 : f32
    %broadcast_in_dim3A_422 = vector.broadcast %broadcast_in_dim3A_421 : f32 to vector<16xf32>
    %swap3A_423 = arith.constant 96 : index
    %swap3A_424 = tpu.vector_load %arg5[%swap3A_423] {strides = array<i32>} : memref<128xf32, #tpu.memory_space<vmem>>, vector<16xf32>,
    %swap3A_425 = vector.shape_cast %swap3A_424 : vector<16xf32> to vector<16xf32>
    %swap3A_426 = vector.shape_cast %broadcast_in_dim3A_422 : vector<16xf32> to vector<16xf32>
    tpu.vector_store %arg5[%swap3A_423], %swap3A_426 {strides = array<i32>} : memref<128xf32, #tpu.memory_space<vmem>>, vector<16xf32>,
    %broadcast_in_dim3A_427 = arith.constant 1.000000e+00 : f32
    %broadcast_in_dim3A_428 = vector.broadcast %broadcast_in_dim3A_427 : f32 to vector<16xf32>
    %swap3A_429 = arith.constant 112 : index
    %swap3A_430 = tpu.vector_load %arg5[%swap3A_429] {strides = array<i32>} : memref<128xf32, #tpu.memory_space<vmem>>, vector<16xf32>,
    %swap3A_431 = vector.shape_cast %swap3A_430 : vector<16xf32> to vector<16xf32>
    %swap3A_432 = vector.shape_cast %broadcast_in_dim3A_428 : vector<16xf32> to vector<16xf32>
    tpu.vector_store %arg5[%swap3A_429], %swap3A_432 {strides = array<i32>} : memref<128xf32, #tpu.memory_space<vmem>>, vector<16xf32>,
    %eq3A = arith.constant 0 : i32
    %eq3A_433 = arith.cmpi eq, %arg1, %eq3A : i32
    %convert_element_type3A = arith.extui %eq3A_433 : i1 to i32
    %cond3A = arith.constant 0 : i32
    %cond3A_434 = arith.cmpi ne, %convert_element_type3A, %cond3A : i32
    scf.if %cond3A_434 {
      "tpu.region"() ({
        %run_scoped3A_444 = tpu.sem_alloc : memref<!tpu.dma_semaphore, #tpu.memory_space<semaphore_mem>>
        tpu.enqueue_dma source(%arg6 : memref<1024xf32, #tpu.memory_space<vmem>>) target(%arg7 : memref<1024xf32, #tpu.memory_space<vmem_shared>>) target_semaphore(%run_scoped3A_444 : memref<!tpu.dma_semaphore, #tpu.memory_space<semaphore_mem>>)
        tpu.wait_dma2 semaphore(%run_scoped3A_444 : memref<!tpu.dma_semaphore, #tpu.memory_space<semaphore_mem>>) src(%arg6 : memref<1024xf32, #tpu.memory_space<vmem>>) dst(%arg7 : memref<1024xf32, #tpu.memory_space<vmem_shared>>)
        tpu.yield
      }) : () -> ()
    } else {
    }
    "tpu.region"() ({
      %run_scoped3A_444 = tpu.sem_alloc : memref<!tpu.dma_semaphore, #tpu.memory_space<semaphore_mem>>
      %dma_start3A = arith.constant 0 : i32
      %dma_start3A_445 = tpu.memref_slice %arg2[%mul3A_2, %dma_start3A] : memref<128x128xi32, #tpu.memory_space<hbm>> -> memref<4x128xi32, #tpu.memory_space<hbm>>
      %dma_start3A_446 = arith.constant 0 : i32
      %dma_start3A_447 = tpu.memref_slice %arg2[%mul3A_2, %dma_start3A_446] : memref<128x128xi32, #tpu.memory_space<hbm>> -> memref<4x128xi32, #tpu.memory_space<hbm>>
      tpu.enqueue_dma source(%dma_start3A_447 : memref<4x128xi32, #tpu.memory_space<hbm>>) target(%arg4 : memref<4x128xi32, #tpu.memory_space<vmem>>) target_semaphore(%run_scoped3A_444 : memref<!tpu.dma_semaphore, #tpu.memory_space<semaphore_mem>>)
      %dma_wait3A = arith.constant 0 : i32
      %dma_wait3A_448 = tpu.memref_slice %arg2[%mul3A_2, %dma_wait3A] : memref<128x128xi32, #tpu.memory_space<hbm>> -> memref<4x128xi32, #tpu.memory_space<hbm>>
      %dma_wait3A_449 = arith.constant 0 : i32
      %dma_wait3A_450 = tpu.memref_slice %arg2[%mul3A_2, %dma_wait3A_449] : memref<128x128xi32, #tpu.memory_space<hbm>> -> memref<4x128xi32, #tpu.memory_space<hbm>>
      tpu.wait_dma2 semaphore(%run_scoped3A_444 : memref<!tpu.dma_semaphore, #tpu.memory_space<semaphore_mem>>) src(%dma_wait3A_450 : memref<4x128xi32, #tpu.memory_space<hbm>>) dst(%arg4 : memref<4x128xi32, #tpu.memory_space<vmem>>)
      tpu.yield
    }) : () -> ()
    %barrier3A = arith.constant 0 : index
    tpu.barrier barrier_id(%barrier3A)
    %run_scoped3A = arith.constant 0 : i32
    "tpu.region"() ({
      %run_scoped3A_444 = tpu.sem_alloc : memref<!tpu.dma_semaphore, #tpu.memory_space<semaphore_mem>>
      %dma_start3A = arith.constant 0 : i32
      %dma_start3A_445 = tpu.memref_slice %arg4[%run_scoped3A, %dma_start3A] : memref<4x128xi32, #tpu.memory_space<vmem>> -> memref<1x128xi32, #tpu.memory_space<vmem>>
      %dma_start3A_446 = tpu.memref_squeeze %dma_start3A_445 : memref<1x128xi32, #tpu.memory_space<vmem>> -> memref<128xi32, #tpu.memory_space<vmem>>
      %dma_start3A_447 = arith.constant 0 : i32
      %dma_start3A_448 = tpu.memref_slice %arg7[%dma_start3A_447] : memref<1024xf32, #tpu.memory_space<vmem_shared>> -> memref<1024xf32, #tpu.memory_space<vmem_shared>>
      tpu.enqueue_indirect_dma source(%arg5 : memref<128xf32, #tpu.memory_space<vmem>>) target(%dma_start3A_448 : memref<1024xf32, #tpu.memory_space<vmem_shared>>) offsets(%dma_start3A_446 : memref<128xi32, #tpu.memory_space<vmem>>) semaphore(%run_scoped3A_444 : memref<!tpu.dma_semaphore, #tpu.memory_space<semaphore_mem>>) {add = true}
      %dma_wait3A = arith.constant 0 : i32
      %dma_wait3A_449 = tpu.memref_slice %arg4[%run_scoped3A, %dma_wait3A] : memref<4x128xi32, #tpu.memory_space<vmem>> -> memref<1x128xi32, #tpu.memory_space<vmem>>
      %dma_wait3A_450 = tpu.memref_squeeze %dma_wait3A_449 : memref<1x128xi32, #tpu.memory_space<vmem>> -> memref<128xi32, #tpu.memory_space<vmem>>
      %dma_wait3A_451 = arith.constant 0 : i32
      %dma_wait3A_452 = tpu.memref_slice %arg7[%dma_wait3A_451] : memref<1024xf32, #tpu.memory_space<vmem_shared>> -> memref<1024xf32, #tpu.memory_space<vmem_shared>>
      tpu.wait_indirect_dma semaphore(%run_scoped3A_444 : memref<!tpu.dma_semaphore, #tpu.memory_space<semaphore_mem>>) src(%arg5 : memref<128xf32, #tpu.memory_space<vmem>>) dst(%dma_wait3A_452 : memref<1024xf32, #tpu.memory_space<vmem_shared>>)
      tpu.yield
    }) : () -> ()
    %run_scoped3A_435 = arith.constant 1 : i32
    "tpu.region"() ({
      %run_scoped3A_444 = tpu.sem_alloc : memref<!tpu.dma_semaphore, #tpu.memory_space<semaphore_mem>>
      %dma_start3A = arith.constant 0 : i32
      %dma_start3A_445 = tpu.memref_slice %arg4[%run_scoped3A_435, %dma_start3A] : memref<4x128xi32, #tpu.memory_space<vmem>> -> memref<1x128xi32, #tpu.memory_space<vmem>>
      %dma_start3A_446 = tpu.memref_squeeze %dma_start3A_445 : memref<1x128xi32, #tpu.memory_space<vmem>> -> memref<128xi32, #tpu.memory_space<vmem>>
      %dma_start3A_447 = arith.constant 0 : i32
      %dma_start3A_448 = tpu.memref_slice %arg7[%dma_start3A_447] : memref<1024xf32, #tpu.memory_space<vmem_shared>> -> memref<1024xf32, #tpu.memory_space<vmem_shared>>
      tpu.enqueue_indirect_dma source(%arg5 : memref<128xf32, #tpu.memory_space<vmem>>) target(%dma_start3A_448 : memref<1024xf32, #tpu.memory_space<vmem_shared>>) offsets(%dma_start3A_446 : memref<128xi32, #tpu.memory_space<vmem>>) semaphore(%run_scoped3A_444 : memref<!tpu.dma_semaphore, #tpu.memory_space<semaphore_mem>>) {add = true}
      %dma_wait3A = arith.constant 0 : i32
      %dma_wait3A_449 = tpu.memref_slice %arg4[%run_scoped3A_435, %dma_wait3A] : memref<4x128xi32, #tpu.memory_space<vmem>> -> memref<1x128xi32, #tpu.memory_space<vmem>>
      %dma_wait3A_450 = tpu.memref_squeeze %dma_wait3A_449 : memref<1x128xi32, #tpu.memory_space<vmem>> -> memref<128xi32, #tpu.memory_space<vmem>>
      %dma_wait3A_451 = arith.constant 0 : i32
      %dma_wait3A_452 = tpu.memref_slice %arg7[%dma_wait3A_451] : memref<1024xf32, #tpu.memory_space<vmem_shared>> -> memref<1024xf32, #tpu.memory_space<vmem_shared>>
      tpu.wait_indirect_dma semaphore(%run_scoped3A_444 : memref<!tpu.dma_semaphore, #tpu.memory_space<semaphore_mem>>) src(%arg5 : memref<128xf32, #tpu.memory_space<vmem>>) dst(%dma_wait3A_452 : memref<1024xf32, #tpu.memory_space<vmem_shared>>)
      tpu.yield
    }) : () -> ()
    %run_scoped3A_436 = arith.constant 2 : i32
    "tpu.region"() ({
      %run_scoped3A_444 = tpu.sem_alloc : memref<!tpu.dma_semaphore, #tpu.memory_space<semaphore_mem>>
      %dma_start3A = arith.constant 0 : i32
      %dma_start3A_445 = tpu.memref_slice %arg4[%run_scoped3A_436, %dma_start3A] : memref<4x128xi32, #tpu.memory_space<vmem>> -> memref<1x128xi32, #tpu.memory_space<vmem>>
      %dma_start3A_446 = tpu.memref_squeeze %dma_start3A_445 : memref<1x128xi32, #tpu.memory_space<vmem>> -> memref<128xi32, #tpu.memory_space<vmem>>
      %dma_start3A_447 = arith.constant 0 : i32
      %dma_start3A_448 = tpu.memref_slice %arg7[%dma_start3A_447] : memref<1024xf32, #tpu.memory_space<vmem_shared>> -> memref<1024xf32, #tpu.memory_space<vmem_shared>>
      tpu.enqueue_indirect_dma source(%arg5 : memref<128xf32, #tpu.memory_space<vmem>>) target(%dma_start3A_448 : memref<1024xf32, #tpu.memory_space<vmem_shared>>) offsets(%dma_start3A_446 : memref<128xi32, #tpu.memory_space<vmem>>) semaphore(%run_scoped3A_444 : memref<!tpu.dma_semaphore, #tpu.memory_space<semaphore_mem>>) {add = true}
      %dma_wait3A = arith.constant 0 : i32
      %dma_wait3A_449 = tpu.memref_slice %arg4[%run_scoped3A_436, %dma_wait3A] : memref<4x128xi32, #tpu.memory_space<vmem>> -> memref<1x128xi32, #tpu.memory_space<vmem>>
      %dma_wait3A_450 = tpu.memref_squeeze %dma_wait3A_449 : memref<1x128xi32, #tpu.memory_space<vmem>> -> memref<128xi32, #tpu.memory_space<vmem>>
      %dma_wait3A_451 = arith.constant 0 : i32
      %dma_wait3A_452 = tpu.memref_slice %arg7[%dma_wait3A_451] : memref<1024xf32, #tpu.memory_space<vmem_shared>> -> memref<1024xf32, #tpu.memory_space<vmem_shared>>
      tpu.wait_indirect_dma semaphore(%run_scoped3A_444 : memref<!tpu.dma_semaphore, #tpu.memory_space<semaphore_mem>>) src(%arg5 : memref<128xf32, #tpu.memory_space<vmem>>) dst(%dma_wait3A_452 : memref<1024xf32, #tpu.memory_space<vmem_shared>>)
      tpu.yield
    }) : () -> ()
    %run_scoped3A_437 = arith.constant 3 : i32
    "tpu.region"() ({
      %run_scoped3A_444 = tpu.sem_alloc : memref<!tpu.dma_semaphore, #tpu.memory_space<semaphore_mem>>
      %dma_start3A = arith.constant 0 : i32
      %dma_start3A_445 = tpu.memref_slice %arg4[%run_scoped3A_437, %dma_start3A] : memref<4x128xi32, #tpu.memory_space<vmem>> -> memref<1x128xi32, #tpu.memory_space<vmem>>
      %dma_start3A_446 = tpu.memref_squeeze %dma_start3A_445 : memref<1x128xi32, #tpu.memory_space<vmem>> -> memref<128xi32, #tpu.memory_space<vmem>>
      %dma_start3A_447 = arith.constant 0 : i32
      %dma_start3A_448 = tpu.memref_slice %arg7[%dma_start3A_447] : memref<1024xf32, #tpu.memory_space<vmem_shared>> -> memref<1024xf32, #tpu.memory_space<vmem_shared>>
      tpu.enqueue_indirect_dma source(%arg5 : memref<128xf32, #tpu.memory_space<vmem>>) target(%dma_start3A_448 : memref<1024xf32, #tpu.memory_space<vmem_shared>>) offsets(%dma_start3A_446 : memref<128xi32, #tpu.memory_space<vmem>>) semaphore(%run_scoped3A_444 : memref<!tpu.dma_semaphore, #tpu.memory_space<semaphore_mem>>) {add = true}
      %dma_wait3A = arith.constant 0 : i32
      %dma_wait3A_449 = tpu.memref_slice %arg4[%run_scoped3A_437, %dma_wait3A] : memref<4x128xi32, #tpu.memory_space<vmem>> -> memref<1x128xi32, #tpu.memory_space<vmem>>
      %dma_wait3A_450 = tpu.memref_squeeze %dma_wait3A_449 : memref<1x128xi32, #tpu.memory_space<vmem>> -> memref<128xi32, #tpu.memory_space<vmem>>
      %dma_wait3A_451 = arith.constant 0 : i32
      %dma_wait3A_452 = tpu.memref_slice %arg7[%dma_wait3A_451] : memref<1024xf32, #tpu.memory_space<vmem_shared>> -> memref<1024xf32, #tpu.memory_space<vmem_shared>>
      tpu.wait_indirect_dma semaphore(%run_scoped3A_444 : memref<!tpu.dma_semaphore, #tpu.memory_space<semaphore_mem>>) src(%arg5 : memref<128xf32, #tpu.memory_space<vmem>>) dst(%dma_wait3A_452 : memref<1024xf32, #tpu.memory_space<vmem_shared>>)
      tpu.yield
    }) : () -> ()
    %barrier3A_438 = arith.constant 0 : index
    tpu.barrier barrier_id(%barrier3A_438)
    %eq3A_439 = arith.constant 0 : i32
    %eq3A_440 = arith.cmpi eq, %arg1, %eq3A_439 : i32
    %convert_element_type3A_441 = arith.extui %eq3A_440 : i1 to i32
    %cond3A_442 = arith.constant 0 : i32
    %cond3A_443 = arith.cmpi ne, %convert_element_type3A_441, %cond3A_442 : i32
    scf.if %cond3A_443 {
      "tpu.region"() ({
        %run_scoped3A_444 = tpu.sem_alloc : memref<!tpu.dma_semaphore, #tpu.memory_space<semaphore_mem>>
        %dma_start3A = arith.constant 0 : i32
        %dma_start3A_445 = tpu.memref_slice %arg3[%arg0, %dma_start3A] : memref<2x1024xf32, #tpu.memory_space<hbm>> -> memref<1x1024xf32, #tpu.memory_space<hbm>>
        %dma_start3A_446 = tpu.memref_squeeze %dma_start3A_445 : memref<1x1024xf32, #tpu.memory_space<hbm>> -> memref<1024xf32, #tpu.memory_space<hbm>>
        tpu.enqueue_dma source(%arg7 : memref<1024xf32, #tpu.memory_space<vmem_shared>>) target(%dma_start3A_446 : memref<1024xf32, #tpu.memory_space<hbm>>) target_semaphore(%run_scoped3A_444 : memref<!tpu.dma_semaphore, #tpu.memory_space<semaphore_mem>>)
        %dma_wait3A = arith.constant 0 : i32
        %dma_wait3A_447 = tpu.memref_slice %arg3[%arg0, %dma_wait3A] : memref<2x1024xf32, #tpu.memory_space<hbm>> -> memref<1x1024xf32, #tpu.memory_space<hbm>>
        %dma_wait3A_448 = tpu.memref_squeeze %dma_wait3A_447 : memref<1x1024xf32, #tpu.memory_space<hbm>> -> memref<1024xf32, #tpu.memory_space<hbm>>
        tpu.wait_dma2 semaphore(%run_scoped3A_444 : memref<!tpu.dma_semaphore, #tpu.memory_space<semaphore_mem>>) src(%arg7 : memref<1024xf32, #tpu.memory_space<vmem_shared>>) dst(%dma_wait3A_448 : memref<1024xf32, #tpu.memory_space<hbm>>)
        tpu.yield
      }) : () -> ()
    } else {
    }
    return
  }
}

module attributes {stable_mosaic.version = 14 : i64} {
  func.func @_comb_body(%arg0: memref<1000xf32, #tpu.memory_space<vmem>>, %arg1: memref<1000xf32, #tpu.memory_space<vmem>>, %arg2: memref<2x1024xf32, #tpu.memory_space<vmem>>, %arg3: memref<1x128xf32, #tpu.memory_space<vmem>>, %arg4: memref<8x128xf32, #tpu.memory_space<vmem>>) attributes {dimension_semantics = [], scalar_prefetch = 0 : i64, scratch_operands = 0 : i64, tpu.core_type = #tpu.core_type<tc>} {
    %get3A = arith.constant 0 : index
    %get3A_0 = vector.load %arg0[%get3A] : memref<1000xf32, #tpu.memory_space<vmem>>, vector<1000xf32>
    %get3A_1 = arith.constant 0 : index
    %get3A_2 = vector.load %arg1[%get3A_1] : memref<1000xf32, #tpu.memory_space<vmem>>, vector<1000xf32>
    %get3A_3 = arith.constant 0 : index
    %get3A_4 = arith.constant 0 : index
    %get3A_5 = vector.load %arg2[%get3A_3, %get3A_4] : memref<2x1024xf32, #tpu.memory_space<vmem>>, vector<2x1024xf32>
    %slice3A = vector.extract_strided_slice %get3A_5 {offsets = [0, 0], sizes = [1, 1024], strides = [1, 1]} : vector<2x1024xf32> to vector<1x1024xf32>
    %squeeze3A = vector.shape_cast %slice3A : vector<1x1024xf32> to vector<1024xf32>
    %slice3A_6 = vector.extract_strided_slice %get3A_5 {offsets = [1, 0], sizes = [1, 1024], strides = [1, 1]} : vector<2x1024xf32> to vector<1x1024xf32>
    %squeeze3A_7 = vector.shape_cast %slice3A_6 : vector<1x1024xf32> to vector<1024xf32>
    %add3A = arith.addf %squeeze3A, %squeeze3A_7 : vector<1024xf32>
    %slice3A_8 = vector.extract_strided_slice %add3A {offsets = [0], sizes = [1000], strides = [1]} : vector<1024xf32> to vector<1000xf32>
    %add3A_9 = arith.constant 9.99999993E-9 : f32
    %add3A_10 = vector.broadcast %add3A_9 : f32 to vector<1000xf32>
    %add3A_11 = arith.addf %get3A_2, %add3A_10 : vector<1000xf32>
    %sub3A = arith.subf %get3A_0, %get3A_2 : vector<1000xf32>
    %add3A_12 = arith.constant 9.99999993E-9 : f32
    %add3A_13 = vector.broadcast %add3A_12 : f32 to vector<1000xf32>
    %add3A_14 = arith.addf %sub3A, %add3A_13 : vector<1000xf32>
    %sub3A_15 = arith.subf %slice3A_8, %get3A_2 : vector<1000xf32>
    %add3A_16 = arith.constant 9.99999993E-9 : f32
    %add3A_17 = vector.broadcast %add3A_16 : f32 to vector<1000xf32>
    %add3A_18 = arith.addf %sub3A_15, %add3A_17 : vector<1000xf32>
    %sub3A_19 = arith.constant 1.638400e+04 : f32
    %sub3A_20 = vector.broadcast %sub3A_19 : f32 to vector<1000xf32>
    %sub3A_21 = arith.subf %sub3A_20, %get3A_0 : vector<1000xf32>
    %sub3A_22 = arith.subf %sub3A_21, %slice3A_8 : vector<1000xf32>
    %add3A_23 = arith.addf %sub3A_22, %get3A_2 : vector<1000xf32>
    %add3A_24 = arith.constant 9.99999993E-9 : f32
    %add3A_25 = vector.broadcast %add3A_24 : f32 to vector<1000xf32>
    %add3A_26 = arith.addf %add3A_23, %add3A_25 : vector<1000xf32>
    %add3A_27 = arith.addf %add3A_11, %add3A_14 : vector<1000xf32>
    %add3A_28 = arith.constant 9.99999993E-9 : f32
    %add3A_29 = vector.broadcast %add3A_28 : f32 to vector<1000xf32>
    %add3A_30 = arith.addf %add3A_27, %add3A_29 : vector<1000xf32>
    %div3A = arith.divf %add3A_11, %add3A_30 : vector<1000xf32>
    %add3A_31 = arith.addf %add3A_11, %add3A_18 : vector<1000xf32>
    %add3A_32 = arith.constant 9.99999993E-9 : f32
    %add3A_33 = vector.broadcast %add3A_32 : f32 to vector<1000xf32>
    %add3A_34 = arith.addf %add3A_31, %add3A_33 : vector<1000xf32>
    %div3A_35 = arith.divf %add3A_11, %add3A_34 : vector<1000xf32>
    %mul3A = arith.constant 2.000000e+00 : f32
    %mul3A_36 = vector.broadcast %mul3A : f32 to vector<1000xf32>
    %mul3A_37 = arith.mulf %mul3A_36, %div3A : vector<1000xf32>
    %mul3A_38 = arith.mulf %mul3A_37, %div3A_35 : vector<1000xf32>
    %add3A_39 = arith.addf %div3A, %div3A_35 : vector<1000xf32>
    %add3A_40 = arith.constant 9.99999993E-9 : f32
    %add3A_41 = vector.broadcast %add3A_40 : f32 to vector<1000xf32>
    %add3A_42 = arith.addf %add3A_39, %add3A_41 : vector<1000xf32>
    %div3A_43 = arith.divf %mul3A_38, %add3A_42 : vector<1000xf32>
    %get3A_44 = arith.constant 0 : index
    %get3A_45 = arith.constant 0 : index
    %get3A_46 = vector.load %arg3[%get3A_44, %get3A_45] : memref<1x128xf32, #tpu.memory_space<vmem>>, vector<1x1xf32>
    %get3A_47 = vector.extract %get3A_46[0, 0] : f32 from vector<1x1xf32>
    %div3A_48 = arith.constant 1.638400e+04 : f32
    %div3A_49 = arith.divf %get3A_47, %div3A_48 : f32
    %reduce_sum3A = vector.shape_cast %add3A_11 : vector<1000xf32> to vector<1x1000xf32>
    %reduce_sum3A_50 = arith.constant dense<0.000000e+00> : vector<1xf32>
    %reduce_sum3A_51 = vector.multi_reduction <add>, %reduce_sum3A, %reduce_sum3A_50 [1] : vector<1x1000xf32> to vector<1xf32>
    %reduce_sum3A_52 = vector.shape_cast %reduce_sum3A_51 : vector<1xf32> to vector<1x1xf32>
    %reduce_sum3A_53 = vector.extract %reduce_sum3A_52[0, 0] : f32 from vector<1x1xf32>
    %reduce_sum3A_54 = vector.shape_cast %add3A_26 : vector<1000xf32> to vector<1x1000xf32>
    %reduce_sum3A_55 = arith.constant dense<0.000000e+00> : vector<1xf32>
    %reduce_sum3A_56 = vector.multi_reduction <add>, %reduce_sum3A_54, %reduce_sum3A_55 [1] : vector<1x1000xf32> to vector<1xf32>
    %reduce_sum3A_57 = vector.shape_cast %reduce_sum3A_56 : vector<1xf32> to vector<1x1xf32>
    %reduce_sum3A_58 = vector.extract %reduce_sum3A_57[0, 0] : f32 from vector<1x1xf32>
    %reduce_sum3A_59 = vector.shape_cast %add3A_14 : vector<1000xf32> to vector<1x1000xf32>
    %reduce_sum3A_60 = arith.constant dense<0.000000e+00> : vector<1xf32>
    %reduce_sum3A_61 = vector.multi_reduction <add>, %reduce_sum3A_59, %reduce_sum3A_60 [1] : vector<1x1000xf32> to vector<1xf32>
    %reduce_sum3A_62 = vector.shape_cast %reduce_sum3A_61 : vector<1xf32> to vector<1x1xf32>
    %reduce_sum3A_63 = vector.extract %reduce_sum3A_62[0, 0] : f32 from vector<1x1xf32>
    %reduce_sum3A_64 = vector.shape_cast %add3A_18 : vector<1000xf32> to vector<1x1000xf32>
    %reduce_sum3A_65 = arith.constant dense<0.000000e+00> : vector<1xf32>
    %reduce_sum3A_66 = vector.multi_reduction <add>, %reduce_sum3A_64, %reduce_sum3A_65 [1] : vector<1x1000xf32> to vector<1xf32>
    %reduce_sum3A_67 = vector.shape_cast %reduce_sum3A_66 : vector<1xf32> to vector<1x1xf32>
    %reduce_sum3A_68 = vector.extract %reduce_sum3A_67[0, 0] : f32 from vector<1x1xf32>
    %add3A_69 = arith.addf %reduce_sum3A_53, %reduce_sum3A_58 : f32
    %add3A_70 = arith.addf %reduce_sum3A_53, %reduce_sum3A_58 : f32
    %add3A_71 = arith.addf %add3A_70, %reduce_sum3A_63 : f32
    %add3A_72 = arith.addf %add3A_71, %reduce_sum3A_68 : f32
    %div3A_73 = arith.divf %add3A_69, %add3A_72 : f32
    %add3A_74 = arith.addf %reduce_sum3A_53, %reduce_sum3A_63 : f32
    %add3A_75 = arith.constant 9.99999993E-9 : f32
    %add3A_76 = arith.addf %add3A_74, %add3A_75 : f32
    %div3A_77 = arith.divf %reduce_sum3A_53, %add3A_76 : f32
    %add3A_78 = arith.addf %reduce_sum3A_53, %reduce_sum3A_68 : f32
    %add3A_79 = arith.constant 9.99999993E-9 : f32
    %add3A_80 = arith.addf %add3A_78, %add3A_79 : f32
    %div3A_81 = arith.divf %reduce_sum3A_53, %add3A_80 : f32
    %mul3A_82 = arith.constant 2.000000e+00 : f32
    %mul3A_83 = arith.mulf %mul3A_82, %div3A_77 : f32
    %mul3A_84 = arith.mulf %mul3A_83, %div3A_81 : f32
    %add3A_85 = arith.addf %div3A_77, %div3A_81 : f32
    %add3A_86 = arith.constant 9.99999993E-9 : f32
    %add3A_87 = arith.addf %add3A_85, %add3A_86 : f32
    %div3A_88 = arith.divf %mul3A_84, %add3A_87 : f32
    %reduce_sum3A_89 = vector.shape_cast %div3A : vector<1000xf32> to vector<1x1000xf32>
    %reduce_sum3A_90 = arith.constant dense<0.000000e+00> : vector<1xf32>
    %reduce_sum3A_91 = vector.multi_reduction <add>, %reduce_sum3A_89, %reduce_sum3A_90 [1] : vector<1x1000xf32> to vector<1xf32>
    %reduce_sum3A_92 = vector.shape_cast %reduce_sum3A_91 : vector<1xf32> to vector<1x1xf32>
    %reduce_sum3A_93 = vector.extract %reduce_sum3A_92[0, 0] : f32 from vector<1x1xf32>
    %div3A_94 = arith.constant 1.000000e+03 : f32
    %div3A_95 = arith.divf %reduce_sum3A_93, %div3A_94 : f32
    %reduce_sum3A_96 = vector.shape_cast %div3A_35 : vector<1000xf32> to vector<1x1000xf32>
    %reduce_sum3A_97 = arith.constant dense<0.000000e+00> : vector<1xf32>
    %reduce_sum3A_98 = vector.multi_reduction <add>, %reduce_sum3A_96, %reduce_sum3A_97 [1] : vector<1x1000xf32> to vector<1xf32>
    %reduce_sum3A_99 = vector.shape_cast %reduce_sum3A_98 : vector<1xf32> to vector<1x1xf32>
    %reduce_sum3A_100 = vector.extract %reduce_sum3A_99[0, 0] : f32 from vector<1x1xf32>
    %div3A_101 = arith.constant 1.000000e+03 : f32
    %div3A_102 = arith.divf %reduce_sum3A_100, %div3A_101 : f32
    %reduce_sum3A_103 = vector.shape_cast %div3A_43 : vector<1000xf32> to vector<1x1000xf32>
    %reduce_sum3A_104 = arith.constant dense<0.000000e+00> : vector<1xf32>
    %reduce_sum3A_105 = vector.multi_reduction <add>, %reduce_sum3A_103, %reduce_sum3A_104 [1] : vector<1x1000xf32> to vector<1xf32>
    %reduce_sum3A_106 = vector.shape_cast %reduce_sum3A_105 : vector<1xf32> to vector<1x1xf32>
    %reduce_sum3A_107 = vector.extract %reduce_sum3A_106[0, 0] : f32 from vector<1x1xf32>
    %div3A_108 = arith.constant 1.000000e+03 : f32
    %div3A_109 = arith.divf %reduce_sum3A_107, %div3A_108 : f32
    %broadcast_in_dim3A = arith.constant 1.000000e+00 : f32
    %broadcast_in_dim3A_110 = vector.broadcast %broadcast_in_dim3A : f32 to vector<1x128xf32>
    %mul3A_111 = vector.broadcast %div3A_49 : f32 to vector<1x128xf32>
    %mul3A_112 = arith.mulf %broadcast_in_dim3A_110, %mul3A_111 : vector<1x128xf32>
    %swap3A = arith.constant 0 : index
    %swap3A_113 = arith.constant 0 : index
    %swap3A_114 = vector.load %arg4[%swap3A, %swap3A_113] : memref<8x128xf32, #tpu.memory_space<vmem>>, vector<1x128xf32>
    tpu.vector_store %arg4[%swap3A, %swap3A_113], %mul3A_112 {strides = array<i32>} : memref<8x128xf32, #tpu.memory_space<vmem>>, vector<1x128xf32>,
    %mul3A_115 = vector.broadcast %div3A_73 : f32 to vector<1x128xf32>
    %mul3A_116 = arith.mulf %broadcast_in_dim3A_110, %mul3A_115 : vector<1x128xf32>
    %swap3A_117 = arith.constant 1 : index
    %swap3A_118 = arith.constant 0 : index
    %swap3A_119 = vector.load %arg4[%swap3A_117, %swap3A_118] : memref<8x128xf32, #tpu.memory_space<vmem>>, vector<1x128xf32>
    tpu.vector_store %arg4[%swap3A_117, %swap3A_118], %mul3A_116 {strides = array<i32>} : memref<8x128xf32, #tpu.memory_space<vmem>>, vector<1x128xf32>,
    %mul3A_120 = vector.broadcast %div3A_77 : f32 to vector<1x128xf32>
    %mul3A_121 = arith.mulf %broadcast_in_dim3A_110, %mul3A_120 : vector<1x128xf32>
    %swap3A_122 = arith.constant 2 : index
    %swap3A_123 = arith.constant 0 : index
    %swap3A_124 = vector.load %arg4[%swap3A_122, %swap3A_123] : memref<8x128xf32, #tpu.memory_space<vmem>>, vector<1x128xf32>
    tpu.vector_store %arg4[%swap3A_122, %swap3A_123], %mul3A_121 {strides = array<i32>} : memref<8x128xf32, #tpu.memory_space<vmem>>, vector<1x128xf32>,
    %mul3A_125 = vector.broadcast %div3A_81 : f32 to vector<1x128xf32>
    %mul3A_126 = arith.mulf %broadcast_in_dim3A_110, %mul3A_125 : vector<1x128xf32>
    %swap3A_127 = arith.constant 3 : index
    %swap3A_128 = arith.constant 0 : index
    %swap3A_129 = vector.load %arg4[%swap3A_127, %swap3A_128] : memref<8x128xf32, #tpu.memory_space<vmem>>, vector<1x128xf32>
    tpu.vector_store %arg4[%swap3A_127, %swap3A_128], %mul3A_126 {strides = array<i32>} : memref<8x128xf32, #tpu.memory_space<vmem>>, vector<1x128xf32>,
    %mul3A_130 = vector.broadcast %div3A_88 : f32 to vector<1x128xf32>
    %mul3A_131 = arith.mulf %broadcast_in_dim3A_110, %mul3A_130 : vector<1x128xf32>
    %swap3A_132 = arith.constant 4 : index
    %swap3A_133 = arith.constant 0 : index
    %swap3A_134 = vector.load %arg4[%swap3A_132, %swap3A_133] : memref<8x128xf32, #tpu.memory_space<vmem>>, vector<1x128xf32>
    tpu.vector_store %arg4[%swap3A_132, %swap3A_133], %mul3A_131 {strides = array<i32>} : memref<8x128xf32, #tpu.memory_space<vmem>>, vector<1x128xf32>,
    %mul3A_135 = vector.broadcast %div3A_95 : f32 to vector<1x128xf32>
    %mul3A_136 = arith.mulf %broadcast_in_dim3A_110, %mul3A_135 : vector<1x128xf32>
    %swap3A_137 = arith.constant 5 : index
    %swap3A_138 = arith.constant 0 : index
    %swap3A_139 = vector.load %arg4[%swap3A_137, %swap3A_138] : memref<8x128xf32, #tpu.memory_space<vmem>>, vector<1x128xf32>
    tpu.vector_store %arg4[%swap3A_137, %swap3A_138], %mul3A_136 {strides = array<i32>} : memref<8x128xf32, #tpu.memory_space<vmem>>, vector<1x128xf32>,
    %mul3A_140 = vector.broadcast %div3A_102 : f32 to vector<1x128xf32>
    %mul3A_141 = arith.mulf %broadcast_in_dim3A_110, %mul3A_140 : vector<1x128xf32>
    %swap3A_142 = arith.constant 6 : index
    %swap3A_143 = arith.constant 0 : index
    %swap3A_144 = vector.load %arg4[%swap3A_142, %swap3A_143] : memref<8x128xf32, #tpu.memory_space<vmem>>, vector<1x128xf32>
    tpu.vector_store %arg4[%swap3A_142, %swap3A_143], %mul3A_141 {strides = array<i32>} : memref<8x128xf32, #tpu.memory_space<vmem>>, vector<1x128xf32>,
    %mul3A_145 = vector.broadcast %div3A_109 : f32 to vector<1x128xf32>
    %mul3A_146 = arith.mulf %broadcast_in_dim3A_110, %mul3A_145 : vector<1x128xf32>
    %swap3A_147 = arith.constant 7 : index
    %swap3A_148 = arith.constant 0 : index
    %swap3A_149 = vector.load %arg4[%swap3A_147, %swap3A_148] : memref<8x128xf32, #tpu.memory_space<vmem>>, vector<1x128xf32>
    tpu.vector_store %arg4[%swap3A_147, %swap3A_148], %mul3A_146 {strides = array<i32>} : memref<8x128xf32, #tpu.memory_space<vmem>>, vector<1x128xf32>,
    return
  }
}

module attributes {stable_mosaic.version = 14 : i64} {
  func.func @_dense_body(%arg0: memref<8x1x2048xi32, #tpu.memory_space<vmem>>, %arg1: memref<16384x1000xf32, #tpu.memory_space<hbm>>, %arg2: memref<1000xf32, #tpu.memory_space<vmem>>, %arg3: memref<1000xf32, #tpu.memory_space<vmem>>, %arg4: memref<1x128xf32, #tpu.memory_space<vmem>>, %arg5: memref<2048x1000xf32, #tpu.memory_space<vmem>>, %arg6: memref<2048x1000xf32, #tpu.memory_space<vmem>>, %arg7: memref<1x1000xf32, #tpu.memory_space<vmem>>, %arg8: memref<1x1000xf32, #tpu.memory_space<vmem>>, %arg9: memref<1xf32, #tpu.memory_space<smem>>, %arg10: memref<!tpu.dma_semaphore, #tpu.memory_space<semaphore_mem>>, %arg11: memref<!tpu.dma_semaphore, #tpu.memory_space<semaphore_mem>>) attributes {dimension_semantics = [], scalar_prefetch = 0 : i64, scratch_operands = 7 : i64, tpu.core_type = #tpu.core_type<tc>} {
    %broadcast_in_dim3A = arith.constant 0.000000e+00 : f32
    %broadcast_in_dim3A_0 = vector.broadcast %broadcast_in_dim3A : f32 to vector<1x1000xf32>
    %swap3A = arith.constant 0 : index
    %swap3A_1 = arith.constant 0 : index
    %swap3A_2 = vector.load %arg7[%swap3A, %swap3A_1] : memref<1x1000xf32, #tpu.memory_space<vmem>>, vector<1x1000xf32>
    tpu.vector_store %arg7[%swap3A, %swap3A_1], %broadcast_in_dim3A_0 {strides = array<i32>} : memref<1x1000xf32, #tpu.memory_space<vmem>>, vector<1x1000xf32>,
    %broadcast_in_dim3A_3 = arith.constant 0.000000e+00 : f32
    %broadcast_in_dim3A_4 = vector.broadcast %broadcast_in_dim3A_3 : f32 to vector<1x1000xf32>
    %swap3A_5 = arith.constant 0 : index
    %swap3A_6 = arith.constant 0 : index
    %swap3A_7 = vector.load %arg8[%swap3A_5, %swap3A_6] : memref<1x1000xf32, #tpu.memory_space<vmem>>, vector<1x1000xf32>
    tpu.vector_store %arg8[%swap3A_5, %swap3A_6], %broadcast_in_dim3A_4 {strides = array<i32>} : memref<1x1000xf32, #tpu.memory_space<vmem>>, vector<1x1000xf32>,
    %swap3A_8 = arith.constant 0.000000e+00 : f32
    %swap3A_9 = arith.constant 0 : index
    %swap3A_10 = memref.load %arg9[%swap3A_9] : memref<1xf32, #tpu.memory_space<smem>>
    memref.store %swap3A_8, %arg9[%swap3A_9] : memref<1xf32, #tpu.memory_space<smem>>
    %broadcast_in_dim3A_11 = arith.constant 1.000000e+00 : bf16
    %broadcast_in_dim3A_12 = vector.broadcast %broadcast_in_dim3A_11 : bf16 to vector<1x2048xbf16>
    %broadcast_in_dim3A_13 = arith.constant 1.000000e+00 : bf16
    %broadcast_in_dim3A_14 = vector.broadcast %broadcast_in_dim3A_13 : bf16 to vector<1000x1xbf16>
    %broadcast_in_dim3A_15 = arith.constant 1.000000e+00 : f32
    %broadcast_in_dim3A_16 = vector.broadcast %broadcast_in_dim3A_15 : f32 to vector<1000x1xf32>
    %iota3A = tpu.iota {dimensions = array<i32: 1>} : vector<2048x1000xi32>
    %dma_start3A = arith.constant 0 : i32
    %dma_start3A_17 = arith.constant 0 : i32
    %dma_start3A_18 = tpu.memref_slice %arg5[%dma_start3A, %dma_start3A_17] : memref<2048x1000xf32, #tpu.memory_space<vmem>> -> memref<512x1000xf32, #tpu.memory_space<vmem>>
    %dma_start3A_19 = arith.constant 0 : i32
    %dma_start3A_20 = arith.constant 0 : i32
    %dma_start3A_21 = tpu.memref_slice %arg1[%dma_start3A_19, %dma_start3A_20] : memref<16384x1000xf32, #tpu.memory_space<hbm>> -> memref<512x1000xf32, #tpu.memory_space<hbm>>
    tpu.enqueue_dma source(%dma_start3A_21 : memref<512x1000xf32, #tpu.memory_space<hbm>>) target(%dma_start3A_18 : memref<512x1000xf32, #tpu.memory_space<vmem>>) target_semaphore(%arg10 : memref<!tpu.dma_semaphore, #tpu.memory_space<semaphore_mem>>)
    %dma_start3A_22 = arith.constant 512 : i32
    %dma_start3A_23 = arith.constant 0 : i32
    %dma_start3A_24 = tpu.memref_slice %arg5[%dma_start3A_22, %dma_start3A_23] : memref<2048x1000xf32, #tpu.memory_space<vmem>> -> memref<512x1000xf32, #tpu.memory_space<vmem>>
    %dma_start3A_25 = arith.constant 512 : i32
    %dma_start3A_26 = arith.constant 0 : i32
    %dma_start3A_27 = tpu.memref_slice %arg1[%dma_start3A_25, %dma_start3A_26] : memref<16384x1000xf32, #tpu.memory_space<hbm>> -> memref<512x1000xf32, #tpu.memory_space<hbm>>
    tpu.enqueue_dma source(%dma_start3A_27 : memref<512x1000xf32, #tpu.memory_space<hbm>>) target(%dma_start3A_24 : memref<512x1000xf32, #tpu.memory_space<vmem>>) target_semaphore(%arg10 : memref<!tpu.dma_semaphore, #tpu.memory_space<semaphore_mem>>)
    %dma_start3A_28 = arith.constant 1024 : i32
    %dma_start3A_29 = arith.constant 0 : i32
    %dma_start3A_30 = tpu.memref_slice %arg5[%dma_start3A_28, %dma_start3A_29] : memref<2048x1000xf32, #tpu.memory_space<vmem>> -> memref<512x1000xf32, #tpu.memory_space<vmem>>
    %dma_start3A_31 = arith.constant 1024 : i32
    %dma_start3A_32 = arith.constant 0 : i32
    %dma_start3A_33 = tpu.memref_slice %arg1[%dma_start3A_31, %dma_start3A_32] : memref<16384x1000xf32, #tpu.memory_space<hbm>> -> memref<512x1000xf32, #tpu.memory_space<hbm>>
    tpu.enqueue_dma source(%dma_start3A_33 : memref<512x1000xf32, #tpu.memory_space<hbm>>) target(%dma_start3A_30 : memref<512x1000xf32, #tpu.memory_space<vmem>>) target_semaphore(%arg10 : memref<!tpu.dma_semaphore, #tpu.memory_space<semaphore_mem>>)
    %dma_start3A_34 = arith.constant 1536 : i32
    %dma_start3A_35 = arith.constant 0 : i32
    %dma_start3A_36 = tpu.memref_slice %arg5[%dma_start3A_34, %dma_start3A_35] : memref<2048x1000xf32, #tpu.memory_space<vmem>> -> memref<512x1000xf32, #tpu.memory_space<vmem>>
    %dma_start3A_37 = arith.constant 1536 : i32
    %dma_start3A_38 = arith.constant 0 : i32
    %dma_start3A_39 = tpu.memref_slice %arg1[%dma_start3A_37, %dma_start3A_38] : memref<16384x1000xf32, #tpu.memory_space<hbm>> -> memref<512x1000xf32, #tpu.memory_space<hbm>>
    tpu.enqueue_dma source(%dma_start3A_39 : memref<512x1000xf32, #tpu.memory_space<hbm>>) target(%dma_start3A_36 : memref<512x1000xf32, #tpu.memory_space<vmem>>) target_semaphore(%arg10 : memref<!tpu.dma_semaphore, #tpu.memory_space<semaphore_mem>>)
    %scan3A = arith.constant 0 : i32
    %scan3A_40 = arith.constant 4 : i32
    %scan3A_41 = arith.addi %scan3A, %scan3A_40 : i32
    %scan3A_42 = arith.constant 1 : i32
    scf.for %scan3A_61 = %scan3A to %scan3A_41 step %scan3A_42  : i32 {
      %mul3A = arith.constant 2 : i32
      %mul3A_62 = arith.muli %mul3A, %scan3A_61 : i32
      %add3A = arith.constant 1 : i32
      %add3A_63 = arith.addi %mul3A_62, %add3A : i32
      %lt3A = arith.constant 8 : i32
      %lt3A_64 = arith.cmpi slt, %add3A_63, %lt3A : i32
      %convert_element_type3A = arith.extui %lt3A_64 : i1 to i32
      %cond3A = arith.constant 0 : i32
      %cond3A_65 = arith.cmpi ne, %convert_element_type3A, %cond3A : i32
      scf.if %cond3A_65 {
        %add3A_190 = arith.constant 1 : i32
        %add3A_191 = arith.addi %mul3A_62, %add3A_190 : i32
        %mul3A_192 = arith.constant 2048 : i32
        %mul3A_193 = arith.muli %add3A_191, %mul3A_192 : i32
        %add3A_194 = arith.constant 0 : i32
        %add3A_195 = arith.addi %mul3A_193, %add3A_194 : i32
        %mul3A_196 = arith.constant 2048 : i32
        %mul3A_197 = arith.muli %add3A_191, %mul3A_196 : i32
        %add3A_198 = arith.constant 512 : i32
        %add3A_199 = arith.addi %mul3A_197, %add3A_198 : i32
        %mul3A_200 = arith.constant 2048 : i32
        %mul3A_201 = arith.muli %add3A_191, %mul3A_200 : i32
        %add3A_202 = arith.constant 1024 : i32
        %add3A_203 = arith.addi %mul3A_201, %add3A_202 : i32
        %mul3A_204 = arith.constant 2048 : i32
        %mul3A_205 = arith.muli %add3A_191, %mul3A_204 : i32
        %add3A_206 = arith.constant 1536 : i32
        %add3A_207 = arith.addi %mul3A_205, %add3A_206 : i32
        %dma_start3A_208 = arith.constant 0 : i32
        %dma_start3A_209 = arith.constant 0 : i32
        %dma_start3A_210 = tpu.memref_slice %arg6[%dma_start3A_208, %dma_start3A_209] : memref<2048x1000xf32, #tpu.memory_space<vmem>> -> memref<512x1000xf32, #tpu.memory_space<vmem>>
        %dma_start3A_211 = arith.constant 0 : i32
        %dma_start3A_212 = tpu.memref_slice %arg1[%add3A_195, %dma_start3A_211] : memref<16384x1000xf32, #tpu.memory_space<hbm>> -> memref<512x1000xf32, #tpu.memory_space<hbm>>
        tpu.enqueue_dma source(%dma_start3A_212 : memref<512x1000xf32, #tpu.memory_space<hbm>>) target(%dma_start3A_210 : memref<512x1000xf32, #tpu.memory_space<vmem>>) target_semaphore(%arg11 : memref<!tpu.dma_semaphore, #tpu.memory_space<semaphore_mem>>)
        %dma_start3A_213 = arith.constant 512 : i32
        %dma_start3A_214 = arith.constant 0 : i32
        %dma_start3A_215 = tpu.memref_slice %arg6[%dma_start3A_213, %dma_start3A_214] : memref<2048x1000xf32, #tpu.memory_space<vmem>> -> memref<512x1000xf32, #tpu.memory_space<vmem>>
        %dma_start3A_216 = arith.constant 0 : i32
        %dma_start3A_217 = tpu.memref_slice %arg1[%add3A_199, %dma_start3A_216] : memref<16384x1000xf32, #tpu.memory_space<hbm>> -> memref<512x1000xf32, #tpu.memory_space<hbm>>
        tpu.enqueue_dma source(%dma_start3A_217 : memref<512x1000xf32, #tpu.memory_space<hbm>>) target(%dma_start3A_215 : memref<512x1000xf32, #tpu.memory_space<vmem>>) target_semaphore(%arg11 : memref<!tpu.dma_semaphore, #tpu.memory_space<semaphore_mem>>)
        %dma_start3A_218 = arith.constant 1024 : i32
        %dma_start3A_219 = arith.constant 0 : i32
        %dma_start3A_220 = tpu.memref_slice %arg6[%dma_start3A_218, %dma_start3A_219] : memref<2048x1000xf32, #tpu.memory_space<vmem>> -> memref<512x1000xf32, #tpu.memory_space<vmem>>
        %dma_start3A_221 = arith.constant 0 : i32
        %dma_start3A_222 = tpu.memref_slice %arg1[%add3A_203, %dma_start3A_221] : memref<16384x1000xf32, #tpu.memory_space<hbm>> -> memref<512x1000xf32, #tpu.memory_space<hbm>>
        tpu.enqueue_dma source(%dma_start3A_222 : memref<512x1000xf32, #tpu.memory_space<hbm>>) target(%dma_start3A_220 : memref<512x1000xf32, #tpu.memory_space<vmem>>) target_semaphore(%arg11 : memref<!tpu.dma_semaphore, #tpu.memory_space<semaphore_mem>>)
        %dma_start3A_223 = arith.constant 1536 : i32
        %dma_start3A_224 = arith.constant 0 : i32
        %dma_start3A_225 = tpu.memref_slice %arg6[%dma_start3A_223, %dma_start3A_224] : memref<2048x1000xf32, #tpu.memory_space<vmem>> -> memref<512x1000xf32, #tpu.memory_space<vmem>>
        %dma_start3A_226 = arith.constant 0 : i32
        %dma_start3A_227 = tpu.memref_slice %arg1[%add3A_207, %dma_start3A_226] : memref<16384x1000xf32, #tpu.memory_space<hbm>> -> memref<512x1000xf32, #tpu.memory_space<hbm>>
        tpu.enqueue_dma source(%dma_start3A_227 : memref<512x1000xf32, #tpu.memory_space<hbm>>) target(%dma_start3A_225 : memref<512x1000xf32, #tpu.memory_space<vmem>>) target_semaphore(%arg11 : memref<!tpu.dma_semaphore, #tpu.memory_space<semaphore_mem>>)
      } else {
      }
      %mul3A_66 = arith.constant 2048 : i32
      %mul3A_67 = arith.muli %mul3A_62, %mul3A_66 : i32
      %add3A_68 = arith.constant 0 : i32
      %add3A_69 = arith.addi %mul3A_67, %add3A_68 : i32
      %mul3A_70 = arith.constant 2048 : i32
      %mul3A_71 = arith.muli %mul3A_62, %mul3A_70 : i32
      %add3A_72 = arith.constant 512 : i32
      %add3A_73 = arith.addi %mul3A_71, %add3A_72 : i32
      %mul3A_74 = arith.constant 2048 : i32
      %mul3A_75 = arith.muli %mul3A_62, %mul3A_74 : i32
      %add3A_76 = arith.constant 1024 : i32
      %add3A_77 = arith.addi %mul3A_75, %add3A_76 : i32
      %mul3A_78 = arith.constant 2048 : i32
      %mul3A_79 = arith.muli %mul3A_62, %mul3A_78 : i32
      %add3A_80 = arith.constant 1536 : i32
      %add3A_81 = arith.addi %mul3A_79, %add3A_80 : i32
      %dma_wait3A = arith.constant 0 : i32
      %dma_wait3A_82 = arith.constant 0 : i32
      %dma_wait3A_83 = tpu.memref_slice %arg5[%dma_wait3A, %dma_wait3A_82] : memref<2048x1000xf32, #tpu.memory_space<vmem>> -> memref<512x1000xf32, #tpu.memory_space<vmem>>
      %dma_wait3A_84 = arith.constant 0 : i32
      %dma_wait3A_85 = tpu.memref_slice %arg1[%add3A_69, %dma_wait3A_84] : memref<16384x1000xf32, #tpu.memory_space<hbm>> -> memref<512x1000xf32, #tpu.memory_space<hbm>>
      tpu.wait_dma2 semaphore(%arg10 : memref<!tpu.dma_semaphore, #tpu.memory_space<semaphore_mem>>) src(%dma_wait3A_85 : memref<512x1000xf32, #tpu.memory_space<hbm>>) dst(%dma_wait3A_83 : memref<512x1000xf32, #tpu.memory_space<vmem>>)
      %dma_wait3A_86 = arith.constant 512 : i32
      %dma_wait3A_87 = arith.constant 0 : i32
      %dma_wait3A_88 = tpu.memref_slice %arg5[%dma_wait3A_86, %dma_wait3A_87] : memref<2048x1000xf32, #tpu.memory_space<vmem>> -> memref<512x1000xf32, #tpu.memory_space<vmem>>
      %dma_wait3A_89 = arith.constant 0 : i32
      %dma_wait3A_90 = tpu.memref_slice %arg1[%add3A_73, %dma_wait3A_89] : memref<16384x1000xf32, #tpu.memory_space<hbm>> -> memref<512x1000xf32, #tpu.memory_space<hbm>>
      tpu.wait_dma2 semaphore(%arg10 : memref<!tpu.dma_semaphore, #tpu.memory_space<semaphore_mem>>) src(%dma_wait3A_90 : memref<512x1000xf32, #tpu.memory_space<hbm>>) dst(%dma_wait3A_88 : memref<512x1000xf32, #tpu.memory_space<vmem>>)
      %dma_wait3A_91 = arith.constant 1024 : i32
      %dma_wait3A_92 = arith.constant 0 : i32
      %dma_wait3A_93 = tpu.memref_slice %arg5[%dma_wait3A_91, %dma_wait3A_92] : memref<2048x1000xf32, #tpu.memory_space<vmem>> -> memref<512x1000xf32, #tpu.memory_space<vmem>>
      %dma_wait3A_94 = arith.constant 0 : i32
      %dma_wait3A_95 = tpu.memref_slice %arg1[%add3A_77, %dma_wait3A_94] : memref<16384x1000xf32, #tpu.memory_space<hbm>> -> memref<512x1000xf32, #tpu.memory_space<hbm>>
      tpu.wait_dma2 semaphore(%arg10 : memref<!tpu.dma_semaphore, #tpu.memory_space<semaphore_mem>>) src(%dma_wait3A_95 : memref<512x1000xf32, #tpu.memory_space<hbm>>) dst(%dma_wait3A_93 : memref<512x1000xf32, #tpu.memory_space<vmem>>)
      %dma_wait3A_96 = arith.constant 1536 : i32
      %dma_wait3A_97 = arith.constant 0 : i32
      %dma_wait3A_98 = tpu.memref_slice %arg5[%dma_wait3A_96, %dma_wait3A_97] : memref<2048x1000xf32, #tpu.memory_space<vmem>> -> memref<512x1000xf32, #tpu.memory_space<vmem>>
      %dma_wait3A_99 = arith.constant 0 : i32
      %dma_wait3A_100 = tpu.memref_slice %arg1[%add3A_81, %dma_wait3A_99] : memref<16384x1000xf32, #tpu.memory_space<hbm>> -> memref<512x1000xf32, #tpu.memory_space<hbm>>
      tpu.wait_dma2 semaphore(%arg10 : memref<!tpu.dma_semaphore, #tpu.memory_space<semaphore_mem>>) src(%dma_wait3A_100 : memref<512x1000xf32, #tpu.memory_space<hbm>>) dst(%dma_wait3A_98 : memref<512x1000xf32, #tpu.memory_space<vmem>>)
      %get3A_101 = arith.constant 0 : index
      %get3A_102 = arith.constant 0 : index
      %get3A_103 = vector.load %arg5[%get3A_101, %get3A_102] : memref<2048x1000xf32, #tpu.memory_space<vmem>>, vector<2048x1000xf32>
      %get3A_104 = arith.index_cast %mul3A_62 : i32 to index
      %get3A_105 = arith.constant 0 : index
      %get3A_106 = arith.constant 0 : index
      %get3A_107 = vector.load %arg0[%get3A_104, %get3A_105, %get3A_106] : memref<8x1x2048xi32, #tpu.memory_space<vmem>>, vector<1x1x2048xi32>
      %get3A_108 = vector.shape_cast %get3A_107 : vector<1x1x2048xi32> to vector<2048xi32>
      %broadcast_in_dim3A_109 = vector.shape_cast %get3A_108 : vector<2048xi32> to vector<2048x1xi32>
      %eq3A = vector.broadcast %broadcast_in_dim3A_109 : vector<2048x1xi32> to vector<2048x1000xi32>
      %eq3A_110 = arith.cmpi eq, %iota3A, %eq3A : vector<2048x1000xi32>
      %ge3A = arith.constant 0.000000e+00 : f32
      %ge3A_111 = vector.broadcast %ge3A : f32 to vector<2048x1000xf32>
      %ge3A_112 = arith.cmpf oge, %get3A_103, %ge3A_111 : vector<2048x1000xf32>
      %jit3A = arith.constant 1.000000e+00 : f32
      %jit3A_113 = arith.constant 0.000000e+00 : f32
      %broadcast_in_dim3A_114 = vector.broadcast %jit3A : f32 to vector<2048x1000xf32>
      %broadcast_in_dim3A_115 = vector.broadcast %jit3A_113 : f32 to vector<2048x1000xf32>
      %select_n3A = arith.select %ge3A_112, %broadcast_in_dim3A_114, %broadcast_in_dim3A_115 : vector<2048x1000xi1>, vector<2048x1000xf32>
      %convert_element_type3A_116 = arith.truncf %select_n3A : vector<2048x1000xf32> to vector<2048x1000xbf16>
      %gt3A = arith.constant -8.800000e+01 : f32
      %gt3A_117 = vector.broadcast %gt3A : f32 to vector<2048x1000xf32>
      %gt3A_118 = arith.cmpf ogt, %get3A_103, %gt3A_117 : vector<2048x1000xf32>
      %jit3A_119 = arith.constant 1.000000e+00 : f32
      %jit3A_120 = arith.constant 0.000000e+00 : f32
      %broadcast_in_dim3A_121 = vector.broadcast %jit3A_119 : f32 to vector<2048x1000xf32>
      %broadcast_in_dim3A_122 = vector.broadcast %jit3A_120 : f32 to vector<2048x1000xf32>
      %select_n3A_123 = arith.select %gt3A_118, %broadcast_in_dim3A_121, %broadcast_in_dim3A_122 : vector<2048x1000xi1>, vector<2048x1000xf32>
      %convert_element_type3A_124 = arith.truncf %select_n3A_123 : vector<2048x1000xf32> to vector<2048x1000xbf16>
      %and3A = arith.andi %eq3A_110, %ge3A_112 : vector<2048x1000xi1>
      %jit3A_125 = arith.constant 1.000000e+00 : f32
      %jit3A_126 = arith.constant 0.000000e+00 : f32
      %broadcast_in_dim3A_127 = vector.broadcast %jit3A_125 : f32 to vector<2048x1000xf32>
      %broadcast_in_dim3A_128 = vector.broadcast %jit3A_126 : f32 to vector<2048x1000xf32>
      %select_n3A_129 = arith.select %and3A, %broadcast_in_dim3A_127, %broadcast_in_dim3A_128 : vector<2048x1000xi1>, vector<2048x1000xf32>
      %convert_element_type3A_130 = arith.truncf %select_n3A_129 : vector<2048x1000xf32> to vector<2048x1000xbf16>
      %jit3A_131 = arith.constant 0.000000e+00 : f32
      %broadcast_in_dim3A_132 = vector.broadcast %jit3A_131 : f32 to vector<2048x1000xf32>
      %select_n3A_133 = arith.select %eq3A_110, %get3A_103, %broadcast_in_dim3A_132 : vector<2048x1000xi1>, vector<2048x1000xf32>
      %get3A_134 = arith.constant 0 : index
      %get3A_135 = arith.constant 0 : index
      %get3A_136 = vector.load %arg7[%get3A_134, %get3A_135] : memref<1x1000xf32, #tpu.memory_space<vmem>>, vector<1x1000xf32>
      %dot_general3A = arith.constant dense<0.000000e+00> : vector<1x1000xf32>
      %dot_general3A_137 = tpu.matmul %broadcast_in_dim3A_12, %convert_element_type3A_116, %dot_general3A {dimension_numbers = #tpu.dot_dimension_numbers<[1], [0], [0], [1], [0, 0, 1, 1], [], []>, transpose_lhs_hint = false} : vector<1x2048xbf16>, vector<2048x1000xbf16>, vector<1x1000xf32> -> vector<1x1000xf32>
      %add3A_138 = arith.addf %get3A_136, %dot_general3A_137 : vector<1x1000xf32>
      %swap3A_139 = arith.constant 0 : index
      %swap3A_140 = arith.constant 0 : index
      %swap3A_141 = vector.load %arg7[%swap3A_139, %swap3A_140] : memref<1x1000xf32, #tpu.memory_space<vmem>>, vector<1x1000xf32>
      tpu.vector_store %arg7[%swap3A_139, %swap3A_140], %add3A_138 {strides = array<i32>} : memref<1x1000xf32, #tpu.memory_space<vmem>>, vector<1x1000xf32>,
      %get3A_142 = arith.constant 0 : index
      %get3A_143 = arith.constant 0 : index
      %get3A_144 = vector.load %arg8[%get3A_142, %get3A_143] : memref<1x1000xf32, #tpu.memory_space<vmem>>, vector<1x1000xf32>
      %dot_general3A_145 = arith.constant dense<0.000000e+00> : vector<1x1000xf32>
      %dot_general3A_146 = tpu.matmul %broadcast_in_dim3A_12, %convert_element_type3A_130, %dot_general3A_145 {dimension_numbers = #tpu.dot_dimension_numbers<[1], [0], [0], [1], [0, 0, 1, 1], [], []>, transpose_lhs_hint = false} : vector<1x2048xbf16>, vector<2048x1000xbf16>, vector<1x1000xf32> -> vector<1x1000xf32>
      %add3A_147 = arith.addf %get3A_144, %dot_general3A_146 : vector<1x1000xf32>
      %swap3A_148 = arith.constant 0 : index
      %swap3A_149 = arith.constant 0 : index
      %swap3A_150 = vector.load %arg8[%swap3A_148, %swap3A_149] : memref<1x1000xf32, #tpu.memory_space<vmem>>, vector<1x1000xf32>
      tpu.vector_store %arg8[%swap3A_148, %swap3A_149], %add3A_147 {strides = array<i32>} : memref<1x1000xf32, #tpu.memory_space<vmem>>, vector<1x1000xf32>,
      %dot_general3A_151 = arith.constant dense<0.000000e+00> : vector<2048x1xf32>
      %dot_general3A_152 = tpu.matmul %convert_element_type3A_124, %broadcast_in_dim3A_14, %dot_general3A_151 {dimension_numbers = #tpu.dot_dimension_numbers<[1], [0], [0], [1], [0, 0, 1, 1], [], []>, transpose_lhs_hint = false} : vector<2048x1000xbf16>, vector<1000x1xbf16>, vector<2048x1xf32> -> vector<2048x1xf32>
      %dot_general3A_153 = arith.constant dense<0.000000e+00> : vector<2048x1xf32>
      %dot_general3A_154 = tpu.matmul %select_n3A_133, %broadcast_in_dim3A_16, %dot_general3A_153 {dimension_numbers = #tpu.dot_dimension_numbers<[1], [0], [0], [1], [0, 0, 1, 1], [], []>, transpose_lhs_hint = false} : vector<2048x1000xf32>, vector<1000x1xf32>, vector<2048x1xf32> -> vector<2048x1xf32>
      %eq3A_155 = arith.constant 1.000000e+00 : f32
      %eq3A_156 = vector.broadcast %eq3A_155 : f32 to vector<2048x1xf32>
      %eq3A_157 = arith.cmpf oeq, %dot_general3A_152, %eq3A_156 : vector<2048x1xf32>
      %ge3A_158 = arith.constant 1.733000e+01 : f32
      %ge3A_159 = vector.broadcast %ge3A_158 : f32 to vector<2048x1xf32>
      %ge3A_160 = arith.cmpf oge, %dot_general3A_154, %ge3A_159 : vector<2048x1xf32>
      %and3A_161 = arith.andi %eq3A_157, %ge3A_160 : vector<2048x1xi1>
      %jit3A_162 = arith.constant 1.000000e+00 : f32
      %jit3A_163 = arith.constant 0.000000e+00 : f32
      %broadcast_in_dim3A_164 = vector.broadcast %jit3A_162 : f32 to vector<2048x1xf32>
      %broadcast_in_dim3A_165 = vector.broadcast %jit3A_163 : f32 to vector<2048x1xf32>
      %select_n3A_166 = arith.select %and3A_161, %broadcast_in_dim3A_164, %broadcast_in_dim3A_165 : vector<2048x1xi1>, vector<2048x1xf32>
      %get3A_167 = arith.constant 0 : index
      %get3A_168 = memref.load %arg9[%get3A_167] : memref<1xf32, #tpu.memory_space<smem>>
      %reduce_sum3A = vector.shape_cast %select_n3A_166 : vector<2048x1xf32> to vector<1x2048x1xf32>
      %reduce_sum3A_169 = arith.constant dense<0.000000e+00> : vector<1xf32>
      %reduce_sum3A_170 = vector.multi_reduction <add>, %reduce_sum3A, %reduce_sum3A_169 [1, 2] : vector<1x2048x1xf32> to vector<1xf32>
      %reduce_sum3A_171 = vector.shape_cast %reduce_sum3A_170 : vector<1xf32> to vector<1x1x1xf32>
      %reduce_sum3A_172 = vector.extract %reduce_sum3A_171[0, 0, 0] : f32 from vector<1x1x1xf32>
      %add3A_173 = arith.addf %get3A_168, %reduce_sum3A_172 : f32
      %swap3A_174 = arith.constant 0 : index
      %swap3A_175 = memref.load %arg9[%swap3A_174] : memref<1xf32, #tpu.memory_space<smem>>
      memref.store %add3A_173, %arg9[%swap3A_174] : memref<1xf32, #tpu.memory_space<smem>>
      %add3A_176 = arith.constant 2 : i32
      %add3A_177 = arith.addi %mul3A_62, %add3A_176 : i32
      %lt3A_178 = arith.constant 8 : i32
      %lt3A_179 = arith.cmpi slt, %add3A_177, %lt3A_178 : i32
      %convert_element_type3A_180 = arith.extui %lt3A_179 : i1 to i32
      %cond3A_181 = arith.constant 0 : i32
      %cond3A_182 = arith.cmpi ne, %convert_element_type3A_180, %cond3A_181 : i32
      scf.if %cond3A_182 {
        %add3A_190 = arith.constant 2 : i32
        %add3A_191 = arith.addi %mul3A_62, %add3A_190 : i32
        %mul3A_192 = arith.constant 2048 : i32
        %mul3A_193 = arith.muli %add3A_191, %mul3A_192 : i32
        %add3A_194 = arith.constant 0 : i32
        %add3A_195 = arith.addi %mul3A_193, %add3A_194 : i32
        %mul3A_196 = arith.constant 2048 : i32
        %mul3A_197 = arith.muli %add3A_191, %mul3A_196 : i32
        %add3A_198 = arith.constant 512 : i32
        %add3A_199 = arith.addi %mul3A_197, %add3A_198 : i32
        %mul3A_200 = arith.constant 2048 : i32
        %mul3A_201 = arith.muli %add3A_191, %mul3A_200 : i32
        %add3A_202 = arith.constant 1024 : i32
        %add3A_203 = arith.addi %mul3A_201, %add3A_202 : i32
        %mul3A_204 = arith.constant 2048 : i32
        %mul3A_205 = arith.muli %add3A_191, %mul3A_204 : i32
        %add3A_206 = arith.constant 1536 : i32
        %add3A_207 = arith.addi %mul3A_205, %add3A_206 : i32
        %dma_start3A_208 = arith.constant 0 : i32
        %dma_start3A_209 = arith.constant 0 : i32
        %dma_start3A_210 = tpu.memref_slice %arg5[%dma_start3A_208, %dma_start3A_209] : memref<2048x1000xf32, #tpu.memory_space<vmem>> -> memref<512x1000xf32, #tpu.memory_space<vmem>>
        %dma_start3A_211 = arith.constant 0 : i32
        %dma_start3A_212 = tpu.memref_slice %arg1[%add3A_195, %dma_start3A_211] : memref<16384x1000xf32, #tpu.memory_space<hbm>> -> memref<512x1000xf32, #tpu.memory_space<hbm>>
        tpu.enqueue_dma source(%dma_start3A_212 : memref<512x1000xf32, #tpu.memory_space<hbm>>) target(%dma_start3A_210 : memref<512x1000xf32, #tpu.memory_space<vmem>>) target_semaphore(%arg10 : memref<!tpu.dma_semaphore, #tpu.memory_space<semaphore_mem>>)
        %dma_start3A_213 = arith.constant 512 : i32
        %dma_start3A_214 = arith.constant 0 : i32
        %dma_start3A_215 = tpu.memref_slice %arg5[%dma_start3A_213, %dma_start3A_214] : memref<2048x1000xf32, #tpu.memory_space<vmem>> -> memref<512x1000xf32, #tpu.memory_space<vmem>>
        %dma_start3A_216 = arith.constant 0 : i32
        %dma_start3A_217 = tpu.memref_slice %arg1[%add3A_199, %dma_start3A_216] : memref<16384x1000xf32, #tpu.memory_space<hbm>> -> memref<512x1000xf32, #tpu.memory_space<hbm>>
        tpu.enqueue_dma source(%dma_start3A_217 : memref<512x1000xf32, #tpu.memory_space<hbm>>) target(%dma_start3A_215 : memref<512x1000xf32, #tpu.memory_space<vmem>>) target_semaphore(%arg10 : memref<!tpu.dma_semaphore, #tpu.memory_space<semaphore_mem>>)
        %dma_start3A_218 = arith.constant 1024 : i32
        %dma_start3A_219 = arith.constant 0 : i32
        %dma_start3A_220 = tpu.memref_slice %arg5[%dma_start3A_218, %dma_start3A_219] : memref<2048x1000xf32, #tpu.memory_space<vmem>> -> memref<512x1000xf32, #tpu.memory_space<vmem>>
        %dma_start3A_221 = arith.constant 0 : i32
        %dma_start3A_222 = tpu.memref_slice %arg1[%add3A_203, %dma_start3A_221] : memref<16384x1000xf32, #tpu.memory_space<hbm>> -> memref<512x1000xf32, #tpu.memory_space<hbm>>
        tpu.enqueue_dma source(%dma_start3A_222 : memref<512x1000xf32, #tpu.memory_space<hbm>>) target(%dma_start3A_220 : memref<512x1000xf32, #tpu.memory_space<vmem>>) target_semaphore(%arg10 : memref<!tpu.dma_semaphore, #tpu.memory_space<semaphore_mem>>)
        %dma_start3A_223 = arith.constant 1536 : i32
        %dma_start3A_224 = arith.constant 0 : i32
        %dma_start3A_225 = tpu.memref_slice %arg5[%dma_start3A_223, %dma_start3A_224] : memref<2048x1000xf32, #tpu.memory_space<vmem>> -> memref<512x1000xf32, #tpu.memory_space<vmem>>
        %dma_start3A_226 = arith.constant 0 : i32
        %dma_start3A_227 = tpu.memref_slice %arg1[%add3A_207, %dma_start3A_226] : memref<16384x1000xf32, #tpu.memory_space<hbm>> -> memref<512x1000xf32, #tpu.memory_space<hbm>>
        tpu.enqueue_dma source(%dma_start3A_227 : memref<512x1000xf32, #tpu.memory_space<hbm>>) target(%dma_start3A_225 : memref<512x1000xf32, #tpu.memory_space<vmem>>) target_semaphore(%arg10 : memref<!tpu.dma_semaphore, #tpu.memory_space<semaphore_mem>>)
      } else {
      }
      %add3A_183 = arith.constant 1 : i32
      %add3A_184 = arith.addi %mul3A_62, %add3A_183 : i32
      %lt3A_185 = arith.constant 8 : i32
      %lt3A_186 = arith.cmpi slt, %add3A_184, %lt3A_185 : i32
      %convert_element_type3A_187 = arith.extui %lt3A_186 : i1 to i32
      %cond3A_188 = arith.constant 0 : i32
      %cond3A_189 = arith.cmpi ne, %convert_element_type3A_187, %cond3A_188 : i32
      scf.if %cond3A_189 {
        %add3A_190 = arith.constant 1 : i32
        %add3A_191 = arith.addi %mul3A_62, %add3A_190 : i32
        %mul3A_192 = arith.constant 2048 : i32
        %mul3A_193 = arith.muli %add3A_191, %mul3A_192 : i32
        %add3A_194 = arith.constant 0 : i32
        %add3A_195 = arith.addi %mul3A_193, %add3A_194 : i32
        %mul3A_196 = arith.constant 2048 : i32
        %mul3A_197 = arith.muli %add3A_191, %mul3A_196 : i32
        %add3A_198 = arith.constant 512 : i32
        %add3A_199 = arith.addi %mul3A_197, %add3A_198 : i32
        %mul3A_200 = arith.constant 2048 : i32
        %mul3A_201 = arith.muli %add3A_191, %mul3A_200 : i32
        %add3A_202 = arith.constant 1024 : i32
        %add3A_203 = arith.addi %mul3A_201, %add3A_202 : i32
        %mul3A_204 = arith.constant 2048 : i32
        %mul3A_205 = arith.muli %add3A_191, %mul3A_204 : i32
        %add3A_206 = arith.constant 1536 : i32
        %add3A_207 = arith.addi %mul3A_205, %add3A_206 : i32
        %dma_wait3A_208 = arith.constant 0 : i32
        %dma_wait3A_209 = arith.constant 0 : i32
        %dma_wait3A_210 = tpu.memref_slice %arg6[%dma_wait3A_208, %dma_wait3A_209] : memref<2048x1000xf32, #tpu.memory_space<vmem>> -> memref<512x1000xf32, #tpu.memory_space<vmem>>
        %dma_wait3A_211 = arith.constant 0 : i32
        %dma_wait3A_212 = tpu.memref_slice %arg1[%add3A_195, %dma_wait3A_211] : memref<16384x1000xf32, #tpu.memory_space<hbm>> -> memref<512x1000xf32, #tpu.memory_space<hbm>>
        tpu.wait_dma2 semaphore(%arg11 : memref<!tpu.dma_semaphore, #tpu.memory_space<semaphore_mem>>) src(%dma_wait3A_212 : memref<512x1000xf32, #tpu.memory_space<hbm>>) dst(%dma_wait3A_210 : memref<512x1000xf32, #tpu.memory_space<vmem>>)
        %dma_wait3A_213 = arith.constant 512 : i32
        %dma_wait3A_214 = arith.constant 0 : i32
        %dma_wait3A_215 = tpu.memref_slice %arg6[%dma_wait3A_213, %dma_wait3A_214] : memref<2048x1000xf32, #tpu.memory_space<vmem>> -> memref<512x1000xf32, #tpu.memory_space<vmem>>
        %dma_wait3A_216 = arith.constant 0 : i32
        %dma_wait3A_217 = tpu.memref_slice %arg1[%add3A_199, %dma_wait3A_216] : memref<16384x1000xf32, #tpu.memory_space<hbm>> -> memref<512x1000xf32, #tpu.memory_space<hbm>>
        tpu.wait_dma2 semaphore(%arg11 : memref<!tpu.dma_semaphore, #tpu.memory_space<semaphore_mem>>) src(%dma_wait3A_217 : memref<512x1000xf32, #tpu.memory_space<hbm>>) dst(%dma_wait3A_215 : memref<512x1000xf32, #tpu.memory_space<vmem>>)
        %dma_wait3A_218 = arith.constant 1024 : i32
        %dma_wait3A_219 = arith.constant 0 : i32
        %dma_wait3A_220 = tpu.memref_slice %arg6[%dma_wait3A_218, %dma_wait3A_219] : memref<2048x1000xf32, #tpu.memory_space<vmem>> -> memref<512x1000xf32, #tpu.memory_space<vmem>>
        %dma_wait3A_221 = arith.constant 0 : i32
        %dma_wait3A_222 = tpu.memref_slice %arg1[%add3A_203, %dma_wait3A_221] : memref<16384x1000xf32, #tpu.memory_space<hbm>> -> memref<512x1000xf32, #tpu.memory_space<hbm>>
        tpu.wait_dma2 semaphore(%arg11 : memref<!tpu.dma_semaphore, #tpu.memory_space<semaphore_mem>>) src(%dma_wait3A_222 : memref<512x1000xf32, #tpu.memory_space<hbm>>) dst(%dma_wait3A_220 : memref<512x1000xf32, #tpu.memory_space<vmem>>)
        %dma_wait3A_223 = arith.constant 1536 : i32
        %dma_wait3A_224 = arith.constant 0 : i32
        %dma_wait3A_225 = tpu.memref_slice %arg6[%dma_wait3A_223, %dma_wait3A_224] : memref<2048x1000xf32, #tpu.memory_space<vmem>> -> memref<512x1000xf32, #tpu.memory_space<vmem>>
        %dma_wait3A_226 = arith.constant 0 : i32
        %dma_wait3A_227 = tpu.memref_slice %arg1[%add3A_207, %dma_wait3A_226] : memref<16384x1000xf32, #tpu.memory_space<hbm>> -> memref<512x1000xf32, #tpu.memory_space<hbm>>
        tpu.wait_dma2 semaphore(%arg11 : memref<!tpu.dma_semaphore, #tpu.memory_space<semaphore_mem>>) src(%dma_wait3A_227 : memref<512x1000xf32, #tpu.memory_space<hbm>>) dst(%dma_wait3A_225 : memref<512x1000xf32, #tpu.memory_space<vmem>>)
        %add3A_228 = arith.constant 1 : i32
        %add3A_229 = arith.addi %mul3A_62, %add3A_228 : i32
        %get3A_230 = arith.constant 0 : index
        %get3A_231 = arith.constant 0 : index
        %get3A_232 = vector.load %arg6[%get3A_230, %get3A_231] : memref<2048x1000xf32, #tpu.memory_space<vmem>>, vector<2048x1000xf32>
        %get3A_233 = arith.index_cast %add3A_229 : i32 to index
        %get3A_234 = arith.constant 0 : index
        %get3A_235 = arith.constant 0 : index
        %get3A_236 = vector.load %arg0[%get3A_233, %get3A_234, %get3A_235] : memref<8x1x2048xi32, #tpu.memory_space<vmem>>, vector<1x1x2048xi32>
        %get3A_237 = vector.shape_cast %get3A_236 : vector<1x1x2048xi32> to vector<2048xi32>
        %broadcast_in_dim3A_238 = vector.shape_cast %get3A_237 : vector<2048xi32> to vector<2048x1xi32>
        %eq3A_239 = vector.broadcast %broadcast_in_dim3A_238 : vector<2048x1xi32> to vector<2048x1000xi32>
        %eq3A_240 = arith.cmpi eq, %iota3A, %eq3A_239 : vector<2048x1000xi32>
        %ge3A_241 = arith.constant 0.000000e+00 : f32
        %ge3A_242 = vector.broadcast %ge3A_241 : f32 to vector<2048x1000xf32>
        %ge3A_243 = arith.cmpf oge, %get3A_232, %ge3A_242 : vector<2048x1000xf32>
        %jit3A_244 = arith.constant 1.000000e+00 : f32
        %jit3A_245 = arith.constant 0.000000e+00 : f32
        %broadcast_in_dim3A_246 = vector.broadcast %jit3A_244 : f32 to vector<2048x1000xf32>
        %broadcast_in_dim3A_247 = vector.broadcast %jit3A_245 : f32 to vector<2048x1000xf32>
        %select_n3A_248 = arith.select %ge3A_243, %broadcast_in_dim3A_246, %broadcast_in_dim3A_247 : vector<2048x1000xi1>, vector<2048x1000xf32>
        %convert_element_type3A_249 = arith.truncf %select_n3A_248 : vector<2048x1000xf32> to vector<2048x1000xbf16>
        %gt3A_250 = arith.constant -8.800000e+01 : f32
        %gt3A_251 = vector.broadcast %gt3A_250 : f32 to vector<2048x1000xf32>
        %gt3A_252 = arith.cmpf ogt, %get3A_232, %gt3A_251 : vector<2048x1000xf32>
        %jit3A_253 = arith.constant 1.000000e+00 : f32
        %jit3A_254 = arith.constant 0.000000e+00 : f32
        %broadcast_in_dim3A_255 = vector.broadcast %jit3A_253 : f32 to vector<2048x1000xf32>
        %broadcast_in_dim3A_256 = vector.broadcast %jit3A_254 : f32 to vector<2048x1000xf32>
        %select_n3A_257 = arith.select %gt3A_252, %broadcast_in_dim3A_255, %broadcast_in_dim3A_256 : vector<2048x1000xi1>, vector<2048x1000xf32>
        %convert_element_type3A_258 = arith.truncf %select_n3A_257 : vector<2048x1000xf32> to vector<2048x1000xbf16>
        %and3A_259 = arith.andi %eq3A_240, %ge3A_243 : vector<2048x1000xi1>
        %jit3A_260 = arith.constant 1.000000e+00 : f32
        %jit3A_261 = arith.constant 0.000000e+00 : f32
        %broadcast_in_dim3A_262 = vector.broadcast %jit3A_260 : f32 to vector<2048x1000xf32>
        %broadcast_in_dim3A_263 = vector.broadcast %jit3A_261 : f32 to vector<2048x1000xf32>
        %select_n3A_264 = arith.select %and3A_259, %broadcast_in_dim3A_262, %broadcast_in_dim3A_263 : vector<2048x1000xi1>, vector<2048x1000xf32>
        %convert_element_type3A_265 = arith.truncf %select_n3A_264 : vector<2048x1000xf32> to vector<2048x1000xbf16>
        %jit3A_266 = arith.constant 0.000000e+00 : f32
        %broadcast_in_dim3A_267 = vector.broadcast %jit3A_266 : f32 to vector<2048x1000xf32>
        %select_n3A_268 = arith.select %eq3A_240, %get3A_232, %broadcast_in_dim3A_267 : vector<2048x1000xi1>, vector<2048x1000xf32>
        %get3A_269 = arith.constant 0 : index
        %get3A_270 = arith.constant 0 : index
        %get3A_271 = vector.load %arg7[%get3A_269, %get3A_270] : memref<1x1000xf32, #tpu.memory_space<vmem>>, vector<1x1000xf32>
        %dot_general3A_272 = arith.constant dense<0.000000e+00> : vector<1x1000xf32>
        %dot_general3A_273 = tpu.matmul %broadcast_in_dim3A_12, %convert_element_type3A_249, %dot_general3A_272 {dimension_numbers = #tpu.dot_dimension_numbers<[1], [0], [0], [1], [0, 0, 1, 1], [], []>, transpose_lhs_hint = false} : vector<1x2048xbf16>, vector<2048x1000xbf16>, vector<1x1000xf32> -> vector<1x1000xf32>
        %add3A_274 = arith.addf %get3A_271, %dot_general3A_273 : vector<1x1000xf32>
        %swap3A_275 = arith.constant 0 : index
        %swap3A_276 = arith.constant 0 : index
        %swap3A_277 = vector.load %arg7[%swap3A_275, %swap3A_276] : memref<1x1000xf32, #tpu.memory_space<vmem>>, vector<1x1000xf32>
        tpu.vector_store %arg7[%swap3A_275, %swap3A_276], %add3A_274 {strides = array<i32>} : memref<1x1000xf32, #tpu.memory_space<vmem>>, vector<1x1000xf32>,
        %get3A_278 = arith.constant 0 : index
        %get3A_279 = arith.constant 0 : index
        %get3A_280 = vector.load %arg8[%get3A_278, %get3A_279] : memref<1x1000xf32, #tpu.memory_space<vmem>>, vector<1x1000xf32>
        %dot_general3A_281 = arith.constant dense<0.000000e+00> : vector<1x1000xf32>
        %dot_general3A_282 = tpu.matmul %broadcast_in_dim3A_12, %convert_element_type3A_265, %dot_general3A_281 {dimension_numbers = #tpu.dot_dimension_numbers<[1], [0], [0], [1], [0, 0, 1, 1], [], []>, transpose_lhs_hint = false} : vector<1x2048xbf16>, vector<2048x1000xbf16>, vector<1x1000xf32> -> vector<1x1000xf32>
        %add3A_283 = arith.addf %get3A_280, %dot_general3A_282 : vector<1x1000xf32>
        %swap3A_284 = arith.constant 0 : index
        %swap3A_285 = arith.constant 0 : index
        %swap3A_286 = vector.load %arg8[%swap3A_284, %swap3A_285] : memref<1x1000xf32, #tpu.memory_space<vmem>>, vector<1x1000xf32>
        tpu.vector_store %arg8[%swap3A_284, %swap3A_285], %add3A_283 {strides = array<i32>} : memref<1x1000xf32, #tpu.memory_space<vmem>>, vector<1x1000xf32>,
        %dot_general3A_287 = arith.constant dense<0.000000e+00> : vector<2048x1xf32>
        %dot_general3A_288 = tpu.matmul %convert_element_type3A_258, %broadcast_in_dim3A_14, %dot_general3A_287 {dimension_numbers = #tpu.dot_dimension_numbers<[1], [0], [0], [1], [0, 0, 1, 1], [], []>, transpose_lhs_hint = false} : vector<2048x1000xbf16>, vector<1000x1xbf16>, vector<2048x1xf32> -> vector<2048x1xf32>
        %dot_general3A_289 = arith.constant dense<0.000000e+00> : vector<2048x1xf32>
        %dot_general3A_290 = tpu.matmul %select_n3A_268, %broadcast_in_dim3A_16, %dot_general3A_289 {dimension_numbers = #tpu.dot_dimension_numbers<[1], [0], [0], [1], [0, 0, 1, 1], [], []>, transpose_lhs_hint = false} : vector<2048x1000xf32>, vector<1000x1xf32>, vector<2048x1xf32> -> vector<2048x1xf32>
        %eq3A_291 = arith.constant 1.000000e+00 : f32
        %eq3A_292 = vector.broadcast %eq3A_291 : f32 to vector<2048x1xf32>
        %eq3A_293 = arith.cmpf oeq, %dot_general3A_288, %eq3A_292 : vector<2048x1xf32>
        %ge3A_294 = arith.constant 1.733000e+01 : f32
        %ge3A_295 = vector.broadcast %ge3A_294 : f32 to vector<2048x1xf32>
        %ge3A_296 = arith.cmpf oge, %dot_general3A_290, %ge3A_295 : vector<2048x1xf32>
        %and3A_297 = arith.andi %eq3A_293, %ge3A_296 : vector<2048x1xi1>
        %jit3A_298 = arith.constant 1.000000e+00 : f32
        %jit3A_299 = arith.constant 0.000000e+00 : f32
        %broadcast_in_dim3A_300 = vector.broadcast %jit3A_298 : f32 to vector<2048x1xf32>
        %broadcast_in_dim3A_301 = vector.broadcast %jit3A_299 : f32 to vector<2048x1xf32>
        %select_n3A_302 = arith.select %and3A_297, %broadcast_in_dim3A_300, %broadcast_in_dim3A_301 : vector<2048x1xi1>, vector<2048x1xf32>
        %get3A_303 = arith.constant 0 : index
        %get3A_304 = memref.load %arg9[%get3A_303] : memref<1xf32, #tpu.memory_space<smem>>
        %reduce_sum3A_305 = vector.shape_cast %select_n3A_302 : vector<2048x1xf32> to vector<1x2048x1xf32>
        %reduce_sum3A_306 = arith.constant dense<0.000000e+00> : vector<1xf32>
        %reduce_sum3A_307 = vector.multi_reduction <add>, %reduce_sum3A_305, %reduce_sum3A_306 [1, 2] : vector<1x2048x1xf32> to vector<1xf32>
        %reduce_sum3A_308 = vector.shape_cast %reduce_sum3A_307 : vector<1xf32> to vector<1x1x1xf32>
        %reduce_sum3A_309 = vector.extract %reduce_sum3A_308[0, 0, 0] : f32 from vector<1x1x1xf32>
        %add3A_310 = arith.addf %get3A_304, %reduce_sum3A_309 : f32
        %swap3A_311 = arith.constant 0 : index
        %swap3A_312 = memref.load %arg9[%swap3A_311] : memref<1xf32, #tpu.memory_space<smem>>
        memref.store %add3A_310, %arg9[%swap3A_311] : memref<1xf32, #tpu.memory_space<smem>>
      } else {
      }
    }
    %scan3A_43 = arith.constant 4 : i32
    %get3A = arith.constant 0 : index
    %get3A_44 = arith.constant 0 : index
    %get3A_45 = vector.load %arg7[%get3A, %get3A_44] : memref<1x1000xf32, #tpu.memory_space<vmem>>, vector<1x1000xf32>
    %get3A_46 = vector.shape_cast %get3A_45 : vector<1x1000xf32> to vector<1000xf32>
    %swap3A_47 = arith.constant 0 : index
    %swap3A_48 = vector.load %arg2[%swap3A_47] : memref<1000xf32, #tpu.memory_space<vmem>>, vector<1000xf32>
    tpu.vector_store %arg2[%swap3A_47], %get3A_46 {strides = array<i32>} : memref<1000xf32, #tpu.memory_space<vmem>>, vector<1000xf32>,
    %get3A_49 = arith.constant 0 : index
    %get3A_50 = arith.constant 0 : index
    %get3A_51 = vector.load %arg8[%get3A_49, %get3A_50] : memref<1x1000xf32, #tpu.memory_space<vmem>>, vector<1x1000xf32>
    %get3A_52 = vector.shape_cast %get3A_51 : vector<1x1000xf32> to vector<1000xf32>
    %swap3A_53 = arith.constant 0 : index
    %swap3A_54 = vector.load %arg3[%swap3A_53] : memref<1000xf32, #tpu.memory_space<vmem>>, vector<1000xf32>
    tpu.vector_store %arg3[%swap3A_53], %get3A_52 {strides = array<i32>} : memref<1000xf32, #tpu.memory_space<vmem>>, vector<1000xf32>,
    %get3A_55 = arith.constant 0 : index
    %get3A_56 = memref.load %arg9[%get3A_55] : memref<1xf32, #tpu.memory_space<smem>>
    %broadcast_in_dim3A_57 = vector.broadcast %get3A_56 : f32 to vector<1x128xf32>
    %swap3A_58 = arith.constant 0 : index
    %swap3A_59 = arith.constant 0 : index
    %swap3A_60 = vector.load %arg4[%swap3A_58, %swap3A_59] : memref<1x128xf32, #tpu.memory_space<vmem>>, vector<1x128xf32>
    tpu.vector_store %arg4[%swap3A_58, %swap3A_59], %broadcast_in_dim3A_57 {strides = array<i32>} : memref<1x128xf32, #tpu.memory_space<vmem>>, vector<1x128xf32>,
    return
  }
}

</mosaic_0001>

<sc_bundles>
// kernel: kernel.5.cloned.1.call-start
scs
__scs_entry_jumppad:
0x0: {  	(pc) =	sbr.rel $0x88, $3  }
0x1: {  	(tag) =	ssettag $0x0;
	lr =	simm.s32 $0x1  }
0x2: {  	[smem:$0x3F9F] =	sst lr;
	_ =	strace $0xD0000000  }
0x3: {  	_ = 	snop  }
0x4: {  	_ = 	snop  }
0x5: {  	_ = 	snop  }
0x6: {  	_ = 	snop  }
0x7: {  	_ = 	snop  }
__scs_overlays_trampoline_lowered:
0x8: {  	[smem:$0x3FAE] =	sst s0  }
0x9: {  	[smem:$0x3FAF] =	sst s1  }
0xa: {  	[smem:$0x3FB0] =	sst s2  }
0xb: {  	[smem:$0x3FB1] =	sst s3  }
0xc: {  	[smem:$0x3FB2] =	sst s4  }
0xd: {  	[smem:$0x3FB3] =	sst s5  }
0xe: {  	[smem:$0x3FB4] =	sst s6  }
0xf: {  	[smem:$0x3FB5] =	sst s7  }
0x10: {  	[smem:$0x3FB6] =	sst s8  }
0x11: {  	[smem:$0x3FB7] =	sst s9;
	s0 =	simm.s32 @!p0 $0x0  }
0x12: {  	s1 =	sld [smem:$0x3F9D];
	s0 =	simm.s32 @p0 $0x1  }
0x13: {  	[smem:$0x3FB8] =	sst s0;
	s0 =	simm.s32 @!p1 $0x0  }
0x14: {  	s2 =	sld [smem:$0x3F9C];
	s0 =	simm.s32 @p1 $0x1  }
0x15: {  	[smem:$0x3FB9] =	sst s0;
	s0 =	simm.s32 @!p2 $0x0  }
0x16: {  	s3 =	sld [smem:$0x3FDB];
	s0 =	simm.s32 @p2 $0x1  }
0x17: {  	s4 =	simm.s32 $0x1BF5;
	[smem:$0x3FBB] =	sst s0  }
0x18: {  	s0 =	sld [smem:$0x3F9E];
	_ =	swait.ge [sflag:s4], $0x0  }
0x19: {  	s7 =	sld [smem:$0x3F9F]  }
0x1a: {  	s8 =	sadd.s32 $0xFFFFE003, lr  }
0x1b: {  	s9 =	sadd.s32 $0xFFFFFEF7, lr;
	s5 =	simm.s32 $0xFFFFFFFF;
	p2 =	slt.u32 s8, $0xFFFFF086  }
0x1c: {  	p1 =	slt.u32 s9, $0xF7A;
	s5 =	simm.s32 @!p2 $0x0  }
0x1d: {  	s5 =	simm.s32 @p1 $0x1;
	p0 =	seq.s32 s7, s2  }
0x1e: {  	s7 =	smul.u32 @!p0 $0xF7A, s2;
	p2 =	seq.s32 @!p0 s5, $0x0  }
0x1f: {  	s9 =	smul.u32 $0xF7A, s1;
	s8 =	simm.s32 @!p0 $0x1BF5;
	p2 =	por !p2, p0  }
0x20: {  	[sflag:s8] =	ssyncset.s32 @!p0 $0xFFFFF086;
	s6 =	sadd.s32 @!p0 s3, s7;
	s7 =	simm.s32 @!p0 $0x108  }
0x21: {  	s3 =	sadd.s32 s3, s9;
	s6 =	sadd.s32 @!p0 $0x88, s6;
	s7 =	simm.s32 @p2 $0x1082  }
0x22: {  	[simem:s7], [sflag:s8] =	dma.local @!p0 [hbm:s6], $0xF7A  }
0x23: {  	s9 =	sor.u32 $0xD0000000, s2;
	s6 =	simm.s32 $0x108;
	_ =	swait.ge @!p0 [sflag:s8], $0x0  }
0x24: {  	s3 =	sadd.s32 $0x88, s3;
	s6 =	simm.s32 @!p1 $0x1082;
	[sflag:s4] =	ssyncset.s32 $0xFFFFF086  }
0x25: {  	[simem:s6], [sflag:s4] =	dma.local [hbm:s3], $0xF7A  }
0x26: {  	[smem:$0x3F9F] =	sst s1;
	(tag) =	ssettag s2;
	_ =	strace s9  }
0x27: {  	s1 =	sld [smem:$0x3FAF]  }
0x28: {  	s2 =	sld [smem:$0x3FB0]  }
0x29: {  	s4 =	sld [smem:$0x3FB2]  }
0x2a: {  	p0 =	seq.s32 s5, $0x0;
	s5 =	sld [smem:$0x3FB3]  }
0x2b: {  	s6 =	sld [smem:$0x3FB4]  }
0x2c: {  	s7 =	sld [smem:$0x3FB5]  }
0x2d: {  	s3 =	simm.s32 $0x108;
	s8 =	sld [smem:$0x3FB6]  }
0x2e: {  	s3 =	simm.s32 @!p0 $0x1082;
	s9 =	sld [smem:$0x3FB7]  }
0x2f: {  	lr =	sadd.s32 s0, s3;
	s0 =	sld [smem:$0x3FAE]  }
0x30: {  	s3 =	sld [smem:$0x3FB1]  }
0x31: {  	[smem:$0x3FBA] =	sst s10  }
0x32: {  	s10 =	sld [smem:$0x3FB8];
	_ =	sdelay $0x3  }
0x33: {  	p0 =	seq.s32 s10, $0x1;
	s10 =	sld [smem:$0x3FBA];
	_ =	sdelay $0x3  }
0x34: {  	[smem:$0x3FBA] =	sst s10  }
0x35: {  	s10 =	sld [smem:$0x3FB9];
	_ =	sdelay $0x3  }
0x36: {  	p1 =	seq.s32 s10, $0x1;
	s10 =	sld [smem:$0x3FBA];
	_ =	sdelay $0x3  }
0x37: {  	[smem:$0x3FBA] =	sst s10  }
0x38: {  	s10 =	sld [smem:$0x3FBB]  }
0x39: {  	_ = 	snop;
	(pc) =	sbr.ind lr, $3  }
0x3a: {  	_ = 	snop  }
0x3b: {  	_ = 	snop  }
0x3c: {  	p2 =	seq.s32 s10, $0x1;
	s10 =	sld [smem:$0x3FBA]  }
0x3d: {  	_ =	shalt  }
0x3e: {  	_ =	shalt  }
0x3f: {  	_ =	shalt  }
0x40: {  	_ =	shalt  }
0x41: {  	_ =	shalt  }
0x42: {  	_ =	shalt  }
0x43: {  	_ =	shalt  }
0x44: {  	_ =	shalt  }
0x45: {  	_ =	shalt  }
0x46: {  	_ =	shalt  }
0x47: {  	_ =	shalt  }
0x48: {  	_ =	shalt  }
0x49: {  	_ =	shalt  }
0x4a: {  	_ =	shalt  }
0x4b: {  	_ =	shalt  }
0x4c: {  	_ =	shalt  }
0x4d: {  	_ =	shalt  }
0x4e: {  	_ =	shalt  }
0x4f: {  	_ =	shalt  }
0x50: {  	_ =	shalt  }
0x51: {  	_ =	shalt  }
0x52: {  	_ =	shalt  }
0x53: {  	_ =	shalt  }
0x54: {  	_ =	shalt  }
0x55: {  	_ =	shalt  }
0x56: {  	_ =	shalt  }
0x57: {  	_ =	shalt  }
0x58: {  	_ =	shalt  }
0x59: {  	_ =	shalt  }
0x5a: {  	_ =	shalt  }
0x5b: {  	_ =	shalt  }
0x5c: {  	_ =	shalt  }
0x5d: {  	_ =	shalt  }
0x5e: {  	_ =	shalt  }
0x5f: {  	_ =	shalt  }
0x60: {  	_ =	shalt  }
0x61: {  	_ =	shalt  }
0x62: {  	_ =	shalt  }
0x63: {  	_ =	shalt  }
0x64: {  	_ =	shalt  }
0x65: {  	_ =	shalt  }
0x66: {  	_ =	shalt  }
0x67: {  	_ =	shalt  }
0x68: {  	_ =	shalt  }
0x69: {  	_ =	shalt  }
0x6a: {  	_ =	shalt  }
0x6b: {  	_ =	shalt  }
0x6c: {  	_ =	shalt  }
0x6d: {  	_ =	shalt  }
0x6e: {  	_ =	shalt  }
0x6f: {  	_ =	shalt  }
0x70: {  	_ =	shalt  }
0x71: {  	_ =	shalt  }
0x72: {  	_ =	shalt  }
0x73: {  	_ =	shalt  }
0x74: {  	_ =	shalt  }
0x75: {  	_ =	shalt  }
0x76: {  	_ =	shalt  }
0x77: {  	_ =	shalt  }
0x78: {  	_ =	shalt  }
0x79: {  	_ =	shalt  }
0x7a: {  	_ =	shalt  }
0x7b: {  	_ =	shalt  }
0x7c: {  	_ =	shalt  }
0x7d: {  	_ =	shalt  }
0x7e: {  	_ =	shalt  }
0x7f: {  	_ =	shalt  }
0x80: {  	_ =	shalt  }
0x81: {  	_ =	shalt  }
0x82: {  	_ =	shalt  }
0x83: {  	_ =	shalt  }
0x84: {  	_ =	shalt  }
0x85: {  	_ =	shalt  }
0x86: {  	_ =	shalt  }
0x87: {  	_ =	shalt  }
.Lfunc_end0:
.L_simem_size_0:
called_computation_lowered:
.L_overlay_start_0:
0x88: {  	s2 =	sld [smem:$0x3FD9]  }
0x89: {  	s3 =	sld [smem:$0x3FFE];
	_ =	sdelay $0x1  }
0x8a: {  	s1 =	srdreg.scid  }
0x8b: {  	s0 =	sand.u32 $0x1, s1  }
0x8c: {  	s17 =	sshll.u32 s0, $0xA;
	s2 =	sadd.s32 s3, s2  }
0x8d: {  	s2 =	sadd.s32 s2, s17  }
0x8e: {  	[smem:$0x3FC6] =	sst s2  }
0x8f: {  	_ = 	snop  }
0x90: {  	s2 =	sld [smem:$0x3FC8];
	(tm) =	ssettm $0x1  }
0x91: {  	s18 =	sld [smem:$0x3FFB];
	_ =	sdelay $0x3  }
0x92: {  	_ =	strace s18  }
0x93: {  	s3 =	sld [smem:$0x3FFC];
	_ =	sdelay $0x3  }
0x94: {  	_ =	strace s3  }
0x95: {  	s3 =	sld [smem:$0x3FFD];
	_ =	sdelay $0x3  }
0x96: {  	_ =	strace s3  }
0x97: {  	_ =	strace $0x8FFFFFFF  }
0x98: {  	s19 =	sld [smem:$0x3FDB];
	_ =	sdelay $0x1  }
0x99: {  	s4 =	simm.s32 $_scs_section_size  }
0x9a: {  	s5 =	simm.s32 $_size__tile_overlayer_lowered;
	s6 =	simm.s32 $_tile_overlayer_lowered  }
0x9b: {  	s22 =	simm.s32 $0x1BFF;
	s21 =	sshll.u32 s6, $0x1;
	s3 =	sadd.s32 s4, s19  }
0x9c: {  	s7 =	simm.s32 $0x0;
	s20 =	sshll.u32 s5, $0x1;
	s5 =	sadd.s32 s21, s3  }
0x9d: {  	[timem:s7], [sflag:s22] =	dma.local [hbm:s5], s20  }
0x9e: {  	_ =	swait.ge [sflag:s22], s20  }
0x9f: {  	s4 =	ssub.s32 $0x0, s20;
	[sflag:s22] =	ssyncset.done $0x0  }
0xa0: {  	[sflag:s22] =	ssyncadd.s32 s4;
	_ =	sdelay $0x1  }
0xa1: {  	s23 =	simm.s32 $0x1B8B  }
0xa2: {  	_ =	swait.ge [sflag:s23], $0x1  }
0xa3: {  	[sflag:s23] =	ssyncset.done $0x0  }
0xa4: {  	s25 =	simm.s32 $0x1B8E;
	s24 =	sld [smem:$0x3FFE];
	[sflag:s23] =	ssyncadd.s32 $0xFFFFFFFF  }
0xa5: {  	s26 =	simm.s32 $execute0_lowered;
	[smem:$0x3FD2] =	sst s25  }
0xa6: {  	s5 =	sshll.u32 s26, $0x1;
	_ =	strace $0x80000046;
	[dreg:$0x1] =	wrdreg $0xFFFFFFFF  }
0xa7: {  	s28 =	simm.s32 $_size_execute0_lowered;
	s3 =	sadd.s32 s3, s5;
	[dreg:$0x0] =	wrdreg $0x0  }
0xa8: {  	s5 =	sshll.u32 s28, $0x1;
	[dreg:$0x2] =	wrdreg s3  }
0xa9: {  	[dreg:$0x3] =	wrdreg s5  }
0xaa: {  	[dreg:$0x4] =	wrdreg $0xC0  }
0xab: {  	_ =	task [dreg:s7], $0x5FFFF  }
0xac: {  	[dreg:$0x1] =	wrdreg $0xFFFFFFFF  }
0xad: {  	[dreg:$0x0] =	wrdreg $0x60  }
0xae: {  	[dreg:$0x2] =	wrdreg s2  }
0xaf: {  	[dreg:$0x3] =	wrdreg s24  }
0xb0: {  	[dreg:$0x4] =	wrdreg $0x6800  }
0xb1: {  	[dreg:$0x5] =	wrdreg $0x9  }
0xb2: {  	_ =	task.clear_ibuf [dreg:s7], $0x6FFFF;
	_ =	strace $0x90000046  }
0xb3: {  	s29 =	simm.s32 $0x9;
	_ =	strace $0x80000048  }
0xb4: {  	_ =	swait.ge [sflag:s29], $0x1  }
0xb5: {  	[sflag:s29] =	ssyncadd.s32 $0xFFFFFFFF  }
0xb6: {  	_ =	strace $0x90000048  }
0xb7: {  	_ =	sfence  }
0xb8: {  	s30 =	sld [smem:$0x0];
	_ =	sdelay $0x2  }
0xb9: {  	s31 =	sshll.u32 s1, $0xD;
	s1 =	sshrl.u32 s1, $0x2  }
0xba: {  	s3 =	sand.u32 $0x4000, s31;
	s1 =	sadd.s32 s1, s30  }
0xbb: {  	s0 =	sor.u32 s3, s0;
	s1 =	sshll.u32 s1, $0x11  }
0xbc: {  	s0 =	sor.u32 s1, s0  }
0xbd: {  	s0 =	sadd.s32 $0x8F2B, s0  }
0xbe: {  	[sflag:s0] =	ssyncadd.remote.s32 $0x1  }
0xbf: {  	_ =	sfence.sel $0xFFFF  }
0xc0: {  	[dreg:$0x0] =	wrdreg $0xFFFFFFFF;
	(pc) =	sbr.abs _section_cstart, $3  }
0xc1: {  	[dreg:$0x1] =	wrdreg $0xFFFFFFFF  }
0xc2: {  	_ =	task.clear_ibuf [dreg:s7], $0x2FFFF;
	_ =	strace $0x9FFFFFFF  }
0xc3: {  	(tm) =	ssettm $0x7FFFFFFF  }
tec
execute0_lowered:
.L_overlay_start_1:
0x0: {  	(tag) =	ssettag $0x1  }
0x1: {  	s5 =	rddreg [dreg:$0x0]  }
0x2: {  	s10 =	rddreg [dreg:$0x1]  }
0x3: {  	s1 =	rddreg [dreg:$0x2];
	s2 =	simm.s32 $0x0  }
0x4: {  	v0 =	vimm.f32 $0.0e+00;
	[smem:$0x7FF] =	sst s2  }
0x5: {  	s0 =	rddreg [dreg:$0x3];
	_ =	strace $0x80000047;
	[tilespmem:$0x2A0] =	vst v0  }
0x6: {  	[tilespmem:$0x2B0] =	vst v0  }
0x7: {  	[tilespmem:$0x2C0] =	vst v0  }
0x8: {  	[tilespmem:$0x2D0] =	vst v0  }
0x9: {  	[tilespmem:$0x2E0] =	vst v0  }
0xa: {  	[tilespmem:$0x2F0] =	vst v0  }
0xb: {  	[tilespmem:$0x300] =	vst v0  }
0xc: {  	[tilespmem:$0x310] =	vst v0  }
0xd: {  	[tilespmem:$0x320] =	vst v0  }
0xe: {  	v1 =	vimm.f32 $1.000000000e+00;
	[tilespmem:$0x280] =	vst v0  }
0xf: {  	[tilespmem:$0x270] =	vst v1  }
0x10: {  	[tilespmem:$0x260] =	vst v1  }
0x11: {  	[tilespmem:$0x250] =	vst v1  }
0x12: {  	[tilespmem:$0x240] =	vst v1  }
0x13: {  	[tilespmem:$0x230] =	vst v1  }
0x14: {  	[tilespmem:$0x220] =	vst v1  }
0x15: {  	[tilespmem:$0x210] =	vst v1  }
0x16: {  	[tilespmem:$0x200] =	vst v1  }
0x17: {  	[tilespmem:$0x670] =	vst v0  }
0x18: {  	[tilespmem:$0x660] =	vst v0  }
0x19: {  	[tilespmem:$0x650] =	vst v0  }
0x1a: {  	[tilespmem:$0x640] =	vst v0  }
0x1b: {  	[tilespmem:$0x630] =	vst v0  }
0x1c: {  	[tilespmem:$0x620] =	vst v0  }
0x1d: {  	[tilespmem:$0x610] =	vst v0  }
0x1e: {  	[tilespmem:$0x600] =	vst v0  }
0x1f: {  	[tilespmem:$0x5F0] =	vst v0  }
0x20: {  	[tilespmem:$0x5E0] =	vst v0  }
0x21: {  	[tilespmem:$0x5D0] =	vst v0  }
0x22: {  	[tilespmem:$0x5C0] =	vst v0  }
0x23: {  	[tilespmem:$0x5B0] =	vst v0  }
0x24: {  	[tilespmem:$0x5A0] =	vst v0  }
0x25: {  	[tilespmem:$0x590] =	vst v0  }
0x26: {  	[tilespmem:$0x580] =	vst v0  }
0x27: {  	[tilespmem:$0x570] =	vst v0  }
0x28: {  	[tilespmem:$0x560] =	vst v0  }
0x29: {  	[tilespmem:$0x550] =	vst v0  }
0x2a: {  	[tilespmem:$0x540] =	vst v0  }
0x2b: {  	[tilespmem:$0x530] =	vst v0  }
0x2c: {  	[tilespmem:$0x520] =	vst v0  }
0x2d: {  	[tilespmem:$0x510] =	vst v0  }
0x2e: {  	[tilespmem:$0x500] =	vst v0  }
0x2f: {  	[tilespmem:$0x4F0] =	vst v0  }
0x30: {  	[tilespmem:$0x4E0] =	vst v0  }
0x31: {  	[tilespmem:$0x4D0] =	vst v0  }
0x32: {  	[tilespmem:$0x4C0] =	vst v0  }
0x33: {  	[tilespmem:$0x4B0] =	vst v0  }
0x34: {  	[tilespmem:$0x4A0] =	vst v0  }
0x35: {  	[tilespmem:$0x490] =	vst v0  }
0x36: {  	[tilespmem:$0x480] =	vst v0  }
0x37: {  	[tilespmem:$0x470] =	vst v0  }
0x38: {  	[tilespmem:$0x460] =	vst v0  }
0x39: {  	[tilespmem:$0x450] =	vst v0  }
0x3a: {  	[tilespmem:$0x440] =	vst v0  }
0x3b: {  	[tilespmem:$0x430] =	vst v0  }
0x3c: {  	[tilespmem:$0x420] =	vst v0  }
0x3d: {  	[tilespmem:$0x410] =	vst v0  }
0x3e: {  	[tilespmem:$0x400] =	vst v0  }
0x3f: {  	[tilespmem:$0x3F0] =	vst v0  }
0x40: {  	[tilespmem:$0x3E0] =	vst v0  }
0x41: {  	[tilespmem:$0x3D0] =	vst v0  }
0x42: {  	[tilespmem:$0x3C0] =	vst v0  }
0x43: {  	[tilespmem:$0x3B0] =	vst v0  }
0x44: {  	[tilespmem:$0x3A0] =	vst v0  }
0x45: {  	[tilespmem:$0x390] =	vst v0  }
0x46: {  	[tilespmem:$0x380] =	vst v0  }
0x47: {  	[tilespmem:$0x370] =	vst v0  }
0x48: {  	[tilespmem:$0x360] =	vst v0  }
0x49: {  	[tilespmem:$0x350] =	vst v0  }
0x4a: {  	s6 =	stileid.u32;
	[tilespmem:$0x340] =	vst v0  }
0x4b: {  	s3 =	srdreg.scid;
	p0 =	sne.s32 s6, $0x0;
	[tilespmem:$0x330] =	vst v0  }
0x4c: {  	s11 =	sand.u32 $0x1, s3;
	[tilespmem:$0x290] =	vst v0;
	s4 =	simm.s32 @!p0 $0x280;
	s3 =	simm.s32 @!p0 $0x1  }
0x4d: {  	[spmem:s1] =	stream.linear.scatter @!p0 [tilespmem:s4], [sflag:$0x1], $0x400, $0x38;
	[tilespmem:$0x6C0] =	vst v63  }
0x4e: {  	s7 =	sshll.u32 s11, $0x6;
	_ =	swait.ge @!p0 [sflag:s3], $0x400  }
0x4f: {  	s6 =	sshll.u32 s6, $0x7;
	s5 =	sadd.s32 s5, s7;
	[sflag:s3] =	ssyncset.done @!p0 $0x0  }
0x50: {  	s5 =	sadd.s32 s6, s5;
	s6 =	simm.s32 $0x1;
	[sflag:s3] =	ssyncadd.s32 @!p0 $0xFFFFFC00  }
0x51: {  	[tilespmem:s2], [sflag:$0x1] =	stream.linear.gather [hbm4b:s5+s2], $0x200, $0x38;
	[tilespmem:$0x6C0] =	vst v63  }
0x52: {  	_ =	swait.ge [sflag:s6], $0x200  }
0x53: {  	[sflag:s6] =	ssyncset.done $0x0  }
0x54: {  	[sflag:s6] =	ssyncadd.s32 $0xFFFFFE00  }
0x55: {  	s8 =	simm.s32 $0x200;
	s7 =	simm.s32 $0x80;
	[bflag:$0x0] =	sbarrier.arrive $0xFFFF  }
0x56: {  	[spmem:s1] =	stream.indirect.scatter.add.f32 [tilespmem:s8], [sflag:$0x1], $0x1, s2, s7, $0xb8;
	[tilespmem:$0x6C0] =	vst v63  }
0x57: {  	_ =	swait.ge [sflag:s6], $0x80  }
0x58: {  	[sflag:s6] =	ssyncset.done $0x0  }
0x59: {  	[sflag:s6] =	ssyncadd.s32 $0xFFFFFF80  }
0x5a: {  	[spmem:s1] =	stream.indirect.scatter.add.f32 [tilespmem:s8], [sflag:$0x1], $0x1, s7, s7, $0xb8;
	[tilespmem:$0x6C0] =	vst v63  }
0x5b: {  	_ =	swait.ge [sflag:s6], $0x80  }
0x5c: {  	s9 =	simm.s32 $0x100;
	[sflag:s6] =	ssyncset.done $0x0  }
0x5d: {  	s12 =	sshll.u32 s11, $0x4;
	s11 =	ssub.s32 $0x2, s11;
	[sflag:s6] =	ssyncadd.s32 $0xFFFFFF80  }
0x5e: {  	[spmem:s1] =	stream.indirect.scatter.add.f32 [tilespmem:s8], [sflag:$0x1], $0x1, s9, s7, $0xb8;
	[tilespmem:$0x6C0] =	vst v63  }
0x5f: {  	s13 =	sshrl.u32 s11, $0x1;
	_ =	swait.ge [sflag:s6], $0x80  }
0x60: {  	s12 =	sadd.s32 s12, s10;
	s13 =	ssub.s32 s11, s13;
	[sflag:s6] =	ssyncset.done $0x0  }
0x61: {  	s10 =	simm.s32 $0x180;
	s13 =	smax.u32 s13, $0x1;
	[sflag:s6] =	ssyncadd.s32 $0xFFFFFF80  }
0x62: {  	[spmem:s1] =	stream.indirect.scatter.add.f32 [tilespmem:s8], [sflag:$0x1], $0x1, s10, s7, $0xb8;
	[tilespmem:$0x6C0] =	vst v63  }
0x63: {  	s14 =	simm.s32 @!p0 $0x1C01;
	s13 =	sadd.s32 $0xFFFFFFFF, s13;
	_ =	swait.ge [sflag:s6], $0x80  }
0x64: {  	s15 =	simm.s32 @!p0 $0x20;
	p1 =	sne.s32 s13, $0x0;
	[sflag:s6] =	ssyncset.done $0x0  }
.Ltmp0:
0x65: {  	s16 =	simm.s32 @!p0 $0x10;
	[sflag:s6] =	ssyncadd.s32 $0xFFFFFF80;
	(pc) =	sbr.rel @!p1 .LBB2_2-.Ltmp0, $4  }
0x66: {  	s11 =	sadd.s32 $0xC00, s12;
	s12 =	sshrl.u32 @!p0 s1, $0x3;
	[bflag:$0x0] =	sbarrier.arrive $0xFFFF  }
0x67: {  	[hbm:s11@s15], [sflag:s14] =	dma.strided @!p0 [spmem:s12@s16], $0x80, s3, $0x10   }
0x68: {  	_ =	swait.ge @!p0 [sflag:s3], $0x80  }
0x69: {  	[sflag:s3] =	ssyncset.done @!p0 $0x0  }
.LBB2_1:
0x6a: {  	s13 =	sadd.s32 $0xFFFFFFFF, s13;
	[sflag:s3] =	ssyncadd.s32 @!p0 $0xFFFFFF80  }
0x6b: {  	[tilespmem:$0x2A0] =	vst v0;
	p1 =	sne.s32 s13, $0x0  }
0x6c: {  	[tilespmem:$0x2B0] =	vst v0  }
0x6d: {  	[tilespmem:$0x2C0] =	vst v0  }
0x6e: {  	[tilespmem:$0x2D0] =	vst v0  }
0x6f: {  	[tilespmem:$0x2E0] =	vst v0  }
0x70: {  	[tilespmem:$0x2F0] =	vst v0  }
0x71: {  	[tilespmem:$0x300] =	vst v0  }
0x72: {  	[tilespmem:$0x310] =	vst v0  }
0x73: {  	[tilespmem:$0x320] =	vst v0  }
0x74: {  	[tilespmem:$0x280] =	vst v0  }
0x75: {  	[tilespmem:$0x270] =	vst v1  }
0x76: {  	[tilespmem:$0x260] =	vst v1  }
0x77: {  	[tilespmem:$0x250] =	vst v1  }
0x78: {  	[tilespmem:$0x240] =	vst v1  }
0x79: {  	[tilespmem:$0x230] =	vst v1  }
0x7a: {  	[tilespmem:$0x220] =	vst v1  }
0x7b: {  	[tilespmem:$0x210] =	vst v1  }
0x7c: {  	[tilespmem:$0x200] =	vst v1  }
0x7d: {  	[tilespmem:$0x670] =	vst v0  }
0x7e: {  	[tilespmem:$0x660] =	vst v0  }
0x7f: {  	[tilespmem:$0x650] =	vst v0  }
0x80: {  	[tilespmem:$0x640] =	vst v0  }
0x81: {  	[tilespmem:$0x630] =	vst v0  }
0x82: {  	[tilespmem:$0x620] =	vst v0  }
0x83: {  	[tilespmem:$0x610] =	vst v0  }
0x84: {  	[tilespmem:$0x600] =	vst v0  }
0x85: {  	[tilespmem:$0x5F0] =	vst v0  }
0x86: {  	[tilespmem:$0x5E0] =	vst v0  }
0x87: {  	[tilespmem:$0x5D0] =	vst v0  }
0x88: {  	[tilespmem:$0x5C0] =	vst v0  }
0x89: {  	[tilespmem:$0x5B0] =	vst v0  }
0x8a: {  	[tilespmem:$0x5A0] =	vst v0  }
0x8b: {  	[tilespmem:$0x590] =	vst v0  }
0x8c: {  	[tilespmem:$0x580] =	vst v0  }
0x8d: {  	[tilespmem:$0x570] =	vst v0  }
0x8e: {  	[tilespmem:$0x560] =	vst v0  }
0x8f: {  	[tilespmem:$0x550] =	vst v0  }
0x90: {  	[tilespmem:$0x540] =	vst v0  }
0x91: {  	[tilespmem:$0x530] =	vst v0  }
0x92: {  	[tilespmem:$0x520] =	vst v0  }
0x93: {  	[tilespmem:$0x510] =	vst v0  }
0x94: {  	[tilespmem:$0x500] =	vst v0  }
0x95: {  	[tilespmem:$0x4F0] =	vst v0  }
0x96: {  	[tilespmem:$0x4E0] =	vst v0  }
0x97: {  	[tilespmem:$0x4D0] =	vst v0  }
0x98: {  	[tilespmem:$0x4C0] =	vst v0  }
0x99: {  	[tilespmem:$0x4B0] =	vst v0  }
0x9a: {  	[tilespmem:$0x4A0] =	vst v0  }
0x9b: {  	[tilespmem:$0x490] =	vst v0  }
0x9c: {  	[tilespmem:$0x480] =	vst v0  }
0x9d: {  	[tilespmem:$0x470] =	vst v0  }
0x9e: {  	[tilespmem:$0x460] =	vst v0  }
0x9f: {  	[tilespmem:$0x450] =	vst v0  }
0xa0: {  	[tilespmem:$0x440] =	vst v0  }
0xa1: {  	[tilespmem:$0x430] =	vst v0  }
0xa2: {  	[tilespmem:$0x420] =	vst v0  }
0xa3: {  	[tilespmem:$0x410] =	vst v0  }
0xa4: {  	[tilespmem:$0x400] =	vst v0  }
0xa5: {  	[tilespmem:$0x3F0] =	vst v0  }
0xa6: {  	[tilespmem:$0x3E0] =	vst v0  }
0xa7: {  	[tilespmem:$0x3D0] =	vst v0  }
0xa8: {  	[tilespmem:$0x3C0] =	vst v0  }
0xa9: {  	[tilespmem:$0x3B0] =	vst v0  }
0xaa: {  	[tilespmem:$0x3A0] =	vst v0  }
0xab: {  	[tilespmem:$0x390] =	vst v0  }
0xac: {  	[tilespmem:$0x380] =	vst v0  }
0xad: {  	[tilespmem:$0x370] =	vst v0  }
0xae: {  	[tilespmem:$0x360] =	vst v0  }
0xaf: {  	[tilespmem:$0x350] =	vst v0  }
0xb0: {  	[tilespmem:$0x340] =	vst v0  }
0xb1: {  	[tilespmem:$0x330] =	vst v0  }
0xb2: {  	[tilespmem:$0x290] =	vst v0  }
0xb3: {  	[spmem:s1] =	stream.linear.scatter @!p0 [tilespmem:s4], [sflag:$0x1], $0x400, $0x38;
	[tilespmem:$0x6C0] =	vst v63  }
0xb4: {  	_ =	swait.ge @!p0 [sflag:s3], $0x400  }
0xb5: {  	[sflag:s3] =	ssyncset.done @!p0 $0x0  }
0xb6: {  	[sflag:s3] =	ssyncadd.s32 @!p0 $0xFFFFFC00  }
0xb7: {  	[tilespmem:s2], [sflag:$0x1] =	stream.linear.gather [hbm4b:s5+s2], $0x200, $0x38;
	[tilespmem:$0x6C0] =	vst v63  }
0xb8: {  	_ =	swait.ge [sflag:s6], $0x200  }
0xb9: {  	[sflag:s6] =	ssyncset.done $0x0  }
0xba: {  	[sflag:s6] =	ssyncadd.s32 $0xFFFFFE00  }
0xbb: {  	[bflag:$0x0] =	sbarrier.arrive $0xFFFF  }
0xbc: {  	[spmem:s1] =	stream.indirect.scatter.add.f32 [tilespmem:s8], [sflag:$0x1], $0x1, s2, s7, $0xb8;
	[tilespmem:$0x6C0] =	vst v63  }
0xbd: {  	_ =	swait.ge [sflag:s6], $0x80  }
0xbe: {  	[sflag:s6] =	ssyncset.done $0x0  }
0xbf: {  	[sflag:s6] =	ssyncadd.s32 $0xFFFFFF80  }
0xc0: {  	[spmem:s1] =	stream.indirect.scatter.add.f32 [tilespmem:s8], [sflag:$0x1], $0x1, s7, s7, $0xb8;
	[tilespmem:$0x6C0] =	vst v63  }
0xc1: {  	_ =	swait.ge [sflag:s6], $0x80  }
0xc2: {  	[sflag:s6] =	ssyncset.done $0x0  }
0xc3: {  	[sflag:s6] =	ssyncadd.s32 $0xFFFFFF80  }
0xc4: {  	[spmem:s1] =	stream.indirect.scatter.add.f32 [tilespmem:s8], [sflag:$0x1], $0x1, s9, s7, $0xb8;
	[tilespmem:$0x6C0] =	vst v63  }
0xc5: {  	_ =	swait.ge [sflag:s6], $0x80  }
0xc6: {  	[sflag:s6] =	ssyncset.done $0x0  }
0xc7: {  	[sflag:s6] =	ssyncadd.s32 $0xFFFFFF80  }
0xc8: {  	[spmem:s1] =	stream.indirect.scatter.add.f32 [tilespmem:s8], [sflag:$0x1], $0x1, s10, s7, $0xb8;
	[tilespmem:$0x6C0] =	vst v63  }
0xc9: {  	_ =	swait.ge [sflag:s6], $0x80  }
0xca: {  	[sflag:s6] =	ssyncset.done $0x0  }
.Ltmp1:
0xcb: {  	[sflag:s6] =	ssyncadd.s32 $0xFFFFFF80;
	(pc) =	sbr.rel @p1 .LBB2_1-.Ltmp1, $4  }
0xcc: {  	[bflag:$0x0] =	sbarrier.arrive $0xFFFF  }
0xcd: {  	[hbm:s11@s15], [sflag:s14] =	dma.strided @!p0 [spmem:s12@s16], $0x80, s3, $0x10   }
0xce: {  	_ =	swait.ge @!p0 [sflag:s3], $0x80  }
0xcf: {  	[sflag:s3] =	ssyncset.done @!p0 $0x0  }
.LBB2_2:
0xd0: {  	[sflag:s3] =	ssyncadd.s32 @!p0 $0xFFFFFF80  }
0xd1: {  	_ =	sfence.sel $0x180000  }
0xd2: {  	[bflag:$0x0] =	sbarrier.arrive $0xFFFF  }
0xd3: {  	_ =	strace $0x90000047  }
0xd4: {  	s0 =	sadd.s32 @!p0 $0x100000, s0;
	[bflag:$0x2] =	sbarrier.arrive $0xFFFF  }
0xd5: {  	[sflag:s0] =	ssyncadd.tile.s32 @!p0 $0x1;
	_ =	shalt  }
.Lfunc_end2:
_tile_overlayer_lowered:
.L_overlay_start_2:
0xd6: {  	(tag) =	ssettag $0x2  }
0xd7: {  	s0 =	rddreg [dreg:$0x0];
	s2 =	stileid.u32  }
0xd8: {  	s1 =	rddreg [dreg:$0x1];
	p0 =	sne.s32 s2, $0x0  }
0xd9: {  	s3 =	rddreg [dreg:$0x2];
	[bflag:$0x3] =	sbarrier.arrive $0xFFFF;
	s2 =	simm.s32 @!p0 $0x1C01  }
0xda: {  	[timem:s3], [sflag:s2] =	dma.local @!p0 [hbm:s0], s1  }
0xdb: {  	s0 =	simm.s32 @!p0 $0x1  }
0xdc: {  	_ =	swait.ge @!p0 [sflag:s0], s1  }
0xdd: {  	s1 =	ssub.s32 @!p0 $0x0, s1;
	[sflag:s0] =	ssyncset.done @!p0 $0x0  }
0xde: {  	[sflag:s0] =	ssyncadd.s32 @!p0 s1  }
0xdf: {  	[bflag:$0x3] =	sbarrier.arrive $0xFFFF  }
0xe0: {  	_ =	shalt  }

</sc_bundles>
